<compile_context>
chip_gen: v7x
topology: tpu7x:2x2x1
jax: 0.10.2.dev20260603
libtpu: 0.0.44.dev20260713+nightly
codegen_flags: <defaults>
</compile_context>

<pallas_src>
import functools

import jax
import jax.numpy as jnp
from jax import lax
from jax.experimental import pallas as pl
from jax.experimental.pallas import tpu as pltpu
from jax.experimental.pallas import tpu_sc as plsc

_B = 4096
_D = 16
_NC = 2
_NS = 16
_NW = _NC * _NS
_RPW = _B // _NW
_EPS = 1e-10
_DIS_PEN = 0.01
_INT_W = 0.1
_POP_W = 0.1
_KL_W = 0.01


def _sc_gather_body(u_int_tab, u_pop_tab, i_int_tab, i_pop_tab,
                    uidx_hbm, pidx_hbm, nidx_hbm,
                    u_int, u_pop, p_int, p_pop, n_int, n_pop,
                    uidx_v, pidx_v, nidx_v,
                    b0, b1, b2, b3, b4, b5, sem):
    wid = lax.axis_index("s") * _NC + lax.axis_index("c")
    base = wid * _RPW
    sl = pl.ds(base, _RPW)
    pltpu.sync_copy(uidx_hbm.at[sl], uidx_v)
    pltpu.sync_copy(pidx_hbm.at[sl], pidx_v)
    pltpu.sync_copy(nidx_hbm.at[sl], nidx_v)
    plan = (
        (u_int_tab, uidx_v, b0, u_int),
        (u_pop_tab, uidx_v, b1, u_pop),
        (i_int_tab, pidx_v, b2, p_int),
        (i_pop_tab, pidx_v, b3, p_pop),
        (i_int_tab, nidx_v, b4, n_int),
        (i_pop_tab, nidx_v, b5, n_pop),
    )
    descs = [pltpu.async_copy(tab.at[idx], buf, sem)
             for tab, idx, buf, _ in plan]
    for d, (_, _, buf, out) in zip(descs, plan):
        d.wait()
        pltpu.sync_copy(buf, out.at[sl])


@functools.cache
def _sc_gather():
    return pl.kernel(
        _sc_gather_body,
        out_type=tuple(jax.ShapeDtypeStruct((_B, _D), jnp.float32)
                       for _ in range(6)),
        mesh=plsc.VectorSubcoreMesh(core_axis_name="c", subcore_axis_name="s",
                                    num_cores=_NC, num_subcores=_NS),
        scratch_types=(
            [pltpu.VMEM((_RPW,), jnp.int32)] * 3
            + [pltpu.VMEM((_RPW, _D), jnp.float32)] * 6
            + [pltpu.SemaphoreType.DMA]
        ),
        compiler_params=pltpu.CompilerParams(use_tc_tiling_on_sc=False),
    )


def _tc_counts_body(iidx_row, iidx_col, uidx_row, uidx_col, wi_ref, wu_ref):
    chunk = 256

    def item_chunk(j, _):
        cols = iidx_row[:, pl.ds(j * chunk, chunk)]
        eq = (iidx_col[:] == cols).astype(jnp.float32)
        wi_ref[:, pl.ds(j * chunk, chunk)] = 1.0 / jnp.sum(eq, axis=0,
                                                           keepdims=True)
        return 0

    def user_chunk(j, _):
        cols = uidx_row[:, pl.ds(j * chunk, chunk)]
        eq = (uidx_col[:] == cols).astype(jnp.float32)
        wu_ref[:, pl.ds(j * chunk, chunk)] = 1.0 / jnp.sum(eq, axis=0,
                                                           keepdims=True)
        return 0

    lax.fori_loop(0, (2 * _B) // chunk, item_chunk, 0)
    lax.fori_loop(0, _B // chunk, user_chunk, 0)


_tc_counts = pl.pallas_call(
    _tc_counts_body,
    out_shape=[jax.ShapeDtypeStruct((1, 2 * _B), jnp.float32),
               jax.ShapeDtypeStruct((1, _B), jnp.float32)],
)


def _gram(a, b):
    return lax.dot_general(a, b, (((1,), (1,)), ((), ())),
                           preferred_element_type=jnp.float32,
                           precision=lax.Precision.HIGHEST)


def _logsig(x):
    return jnp.log(1.0 / (1.0 + jnp.exp(-x)) + _EPS)


def _tc_loss_body(u_int, u_pop, p_int, p_pop, n_int, n_pop,
                  wi_ref, wu_ref, maskf, out_ref):
    wi = wi_ref[:]
    wp = wi[:, :_B]
    wn = wi[:, _B:]
    wu = wu_ref[:]
    n_item = jnp.sum(wi)
    n_user = jnp.sum(wu)

    ui = u_int[:]
    up = u_pop[:]
    pi = p_int[:]
    pp = p_pop[:]
    ni = n_int[:]
    npp = n_pop[:]

    ps_int = jnp.sum(ui * pi, axis=0, keepdims=True)
    ns_int = jnp.sum(ui * ni, axis=0, keepdims=True)
    ps_pop = jnp.sum(up * pp, axis=0, keepdims=True)
    ns_pop = jnp.sum(up * npp, axis=0, keepdims=True)
    mf = maskf[:]
    imf = 1.0 - mf
    loss_int = -jnp.mean(mf * _logsig(ps_int - ns_int))
    loss_pop = (-jnp.mean(mf * _logsig(ns_pop - ps_pop))
                - jnp.mean(imf * _logsig(ps_pop - ns_pop)))
    loss_total = -jnp.mean(_logsig((ps_int + ps_pop) - (ns_int + ns_pop)))

    d_items = jnp.sum(wp * (pi - pp) ** 2) + jnp.sum(wn * (ni - npp) ** 2)
    d_users = jnp.sum(wu * (ui - up) ** 2)
    discrepancy = d_items / (n_item * _D) + d_users / (n_user * _D)

    n = _B * n_item

    def kl(u, wsum_i, gu, m_i):
        s1 = jnp.sum(jnp.sum(u, axis=1, keepdims=True) * wsum_i)
        s2 = jnp.sum(gu * m_i)
        mean = s1 / n
        var = (s2 - s1 * s1 / n) / (n - 1.0)
        return -0.5 * jnp.log(var) + (var + mean * mean) / 2.0 - 0.5

    si_int = (jnp.sum(wp * pi, axis=1, keepdims=True)
              + jnp.sum(wn * ni, axis=1, keepdims=True))
    si_pop = (jnp.sum(wp * pp, axis=1, keepdims=True)
              + jnp.sum(wn * npp, axis=1, keepdims=True))
    gu_int = _gram(ui, ui)
    gu_pop = _gram(up, up)
    m_int = _gram(wp * pi, pi) + _gram(wn * ni, ni)
    m_pop = _gram(wp * pp, pp) + _gram(wn * npp, npp)
    kl_int = kl(ui, si_int, gu_int, m_int)
    kl_pop = kl(up, si_pop, gu_pop, m_pop)

    loss = (_INT_W * loss_int + _POP_W * loss_pop + loss_total
            - _DIS_PEN * discrepancy + _KL_W * (kl_int + kl_pop))
    out_ref[:, :] = jnp.full((1, 1), loss, dtype=jnp.float32)


_tc_loss = pl.pallas_call(
    _tc_loss_body,
    out_shape=jax.ShapeDtypeStruct((1, 1), jnp.float32),
)


def kernel(users_int_w, users_pop_w, items_int_w, items_pop_w,
           user, item_p, item_n, mask):
    uidx = user.reshape(-1).astype(jnp.int32)
    pidx = item_p.reshape(-1).astype(jnp.int32)
    nidx = item_n.reshape(-1).astype(jnp.int32)
    r_ui, r_up, r_pi, r_pp, r_ni, r_np = _sc_gather()(
        users_int_w, users_pop_w, items_int_w, items_pop_w, uidx, pidx, nidx)
    g_ui, g_up, g_pi, g_pp, g_ni, g_np = (
        jnp.swapaxes(a, 0, 1) for a in (r_ui, r_up, r_pi, r_pp, r_ni, r_np))
    iidx = jnp.concatenate([pidx, nidx])
    wi, wu = _tc_counts(iidx.reshape(1, -1), iidx.reshape(-1, 1),
                        uidx.reshape(1, -1), uidx.reshape(-1, 1))
    out = _tc_loss(g_ui, g_up, g_pi, g_pp, g_ni, g_np,
                   wi, wu, mask.astype(jnp.float32).reshape(1, -1))
    return out.reshape(())

# --- scband reference (transcript-rebuilt; emitter-appended) ---
"""Pipeline reference for scband-dice-64381559767710 (READ-ONLY COPY).

The authoritative reference and input builder live on the scoring server;
editing this copy changes nothing except your own understanding.
"""

import jax, jax.numpy as jnp
import numpy as np

NUM_USERS = 100000
NUM_ITEMS = 1000000
EMB = 16
B = 4096
DIS_PEN = 0.01
INT_W = 0.1
POP_W = 0.1
KL_W = 0.01
EPS = 1e-10


def setup_inputs(seed: int = 0) -> dict:
    key = jax.random.key(seed)
    ks = jax.random.split(key, 8)
    return {
        "users_int_w": jax.random.normal(ks[0], (NUM_USERS, EMB), dtype=jnp.float32) * 0.1,
        "users_pop_w": jax.random.normal(ks[1], (NUM_USERS, EMB), dtype=jnp.float32) * 0.1,
        "items_int_w": jax.random.normal(ks[2], (NUM_ITEMS, EMB), dtype=jnp.float32) * 0.1,
        "items_pop_w": jax.random.normal(ks[3], (NUM_ITEMS, EMB), dtype=jnp.float32) * 0.1,
        "user": jax.random.randint(ks[4], (B, 1), 0, NUM_USERS, dtype=jnp.int64 if jax.config.jax_enable_x64 else jnp.int32),
        "item_p": jax.random.randint(ks[5], (B, 1), 0, NUM_ITEMS, dtype=jnp.int64 if jax.config.jax_enable_x64 else jnp.int32),
        "item_n": jax.random.randint(ks[6], (B, 1), 0, NUM_ITEMS, dtype=jnp.int64 if jax.config.jax_enable_x64 else jnp.int32),
        "mask": jax.random.randint(ks[7], (B, 1), 0, 2).astype(bool),
    }


def _kl_to_std_normal(scores, validf, n_valid):
    # KL( N(mean, std) || N(0, 1) ) closed form; torch uses unbiased std
    n = scores.shape[0] * scores.shape[1] * n_valid
    m = jnp.sum(scores * validf) / n
    s = jnp.sqrt(jnp.sum(validf * (scores - m) ** 2) / (n - 1.0))
    return jnp.log(1.0 / s) + (s ** 2 + m ** 2) / 2.0 - 0.5


def reference(users_int_w, users_pop_w, items_int_w, items_pop_w, user, item_p, item_n, mask):
    users_int = users_int_w[user]      # [B,1,D]
    users_pop = users_pop_w[user]
    items_p_int = items_int_w[item_p]
    items_p_pop = items_pop_w[item_p]
    items_n_int = items_int_w[item_n]
    items_n_pop = items_pop_w[item_n]

    p_score_int = jnp.sum(users_int * items_p_int, axis=2)
    n_score_int = jnp.sum(users_int * items_n_int, axis=2)
    p_score_pop = jnp.sum(users_pop * items_p_pop, axis=2)
    n_score_pop = jnp.sum(users_pop * items_n_pop, axis=2)
    p_score_total = p_score_int + p_score_pop
    n_score_total = n_score_int + n_score_pop

    maskf = mask.astype(jnp.float32)
    inv_maskf = (~mask).astype(jnp.float32)

    loss_int = -jnp.mean(maskf * jnp.log(jax.nn.sigmoid(p_score_int - n_score_int) + EPS))
    loss_pop = (-jnp.mean(maskf * jnp.log(jax.nn.sigmoid(n_score_pop - p_score_pop) + EPS))
                - jnp.mean(inv_maskf * jnp.log(jax.nn.sigmoid(p_score_pop - n_score_pop) + EPS)))
    loss_total = -jnp.mean(jnp.log(jax.nn.sigmoid(p_score_total - n_score_total) + EPS))

    item_all = jnp.unique(jnp.concatenate([item_p, item_n], axis=0),
                          size=item_p.shape[0] + item_n.shape[0], fill_value=-1)
    item_validf = (item_all >= 0).astype(jnp.float32)
    n_item = jnp.sum(item_validf)
    item_int = items_int_w[item_all]
    item_pop = items_pop_w[item_all]
    user_all = jnp.unique(user, size=user.shape[0], fill_value=-1)
    user_validf = (user_all >= 0).astype(jnp.float32)
    n_user = jnp.sum(user_validf)
    user_int = users_int_w[user_all]
    user_pop = users_pop_w[user_all]

    discrepancy_loss = (jnp.sum(item_validf[:, None] * (item_int - item_pop) ** 2) / (n_item * EMB)
                        + jnp.sum(user_validf[:, None] * (user_int - user_pop) ** 2) / (n_user * EMB))

    score_int = jnp.matmul(users_int, item_int.T)  # [B,1,U]
    score_pop = jnp.matmul(users_pop, item_pop.T)
    kl_loss_int = _kl_to_std_normal(score_int, item_validf, n_item)
    kl_loss_pop = _kl_to_std_normal(score_pop, item_validf, n_item)

    loss = (INT_W * loss_int + POP_W * loss_pop + loss_total
            - DIS_PEN * discrepancy_loss + KL_W * (kl_loss_int + kl_loss_pop))
    return loss

if __name__ == "__main__":
    import jax
    _d = setup_inputs()
    print(jax.jit(kernel)(*tuple(_d.values())))

</pallas_src>

<mosaic_0001>
#map = affine_map<(d0, d1) -> (0, 0)>
#map1 = affine_map<(d0, d1) -> (0)>
module attributes {stable_mosaic.version = 14 : i64} {
  func.func @_sc_gather_body(%arg0: i32, %arg1: i32, %arg2: memref<100000x16xf32, #tpu.memory_space<hbm>>, %arg3: memref<100000x16xf32, #tpu.memory_space<hbm>>, %arg4: memref<1000000x16xf32, #tpu.memory_space<hbm>>, %arg5: memref<1000000x16xf32, #tpu.memory_space<hbm>>, %arg6: memref<4096xi32, #tpu.memory_space<hbm>>, %arg7: memref<4096xi32, #tpu.memory_space<hbm>>, %arg8: memref<4096xi32, #tpu.memory_space<hbm>>, %arg9: memref<4096x16xf32, #tpu.memory_space<hbm>>, %arg10: memref<4096x16xf32, #tpu.memory_space<hbm>>, %arg11: memref<4096x16xf32, #tpu.memory_space<hbm>>, %arg12: memref<4096x16xf32, #tpu.memory_space<hbm>>, %arg13: memref<4096x16xf32, #tpu.memory_space<hbm>>, %arg14: memref<4096x16xf32, #tpu.memory_space<hbm>>, %arg15: memref<128xi32, #tpu.memory_space<vmem>>, %arg16: memref<128xi32, #tpu.memory_space<vmem>>, %arg17: memref<128xi32, #tpu.memory_space<vmem>>, %arg18: memref<128x16xf32, #tpu.memory_space<vmem>>, %arg19: memref<128x16xf32, #tpu.memory_space<vmem>>, %arg20: memref<128x16xf32, #tpu.memory_space<vmem>>, %arg21: memref<128x16xf32, #tpu.memory_space<vmem>>, %arg22: memref<128x16xf32, #tpu.memory_space<vmem>>, %arg23: memref<128x16xf32, #tpu.memory_space<vmem>>, %arg24: memref<!tpu.dma_semaphore, #tpu.memory_space<semaphore_mem>>) attributes {dimension_semantics = [#tpu.dimension_semantics<core_parallel>, #tpu.dimension_semantics<subcore_parallel>], iteration_bounds = array<i64: 2, 16>, scalar_prefetch = 0 : i64, scratch_operands = 10 : i64, tpu.core_type = #tpu.core_type<sc_vector_subcore>, window_params = [{transform_indices = #map}, {transform_indices = #map}, {transform_indices = #map}, {transform_indices = #map}, {transform_indices = #map1}, {transform_indices = #map1}, {transform_indices = #map1}, {transform_indices = #map}, {transform_indices = #map}, {transform_indices = #map}, {transform_indices = #map}, {transform_indices = #map}, {transform_indices = #map}]} {
    %mul3A = arith.constant 2 : i32
    %mul3A_0 = arith.muli %arg1, %mul3A : i32
    %add3A = arith.addi %mul3A_0, %arg0 : i32
    %mul3A_1 = arith.constant 128 : i32
    %mul3A_2 = arith.muli %add3A, %mul3A_1 : i32
    "tpu.region"() ({
      %run_scoped3A = tpu.sem_alloc : memref<!tpu.dma_semaphore, #tpu.memory_space<semaphore_mem>>
      %dma_start3A_37 = tpu.memref_slice %arg6[%mul3A_2] : memref<4096xi32, #tpu.memory_space<hbm>> -> memref<128xi32, #tpu.memory_space<hbm>>
      %dma_start3A_38 = tpu.memref_slice %arg6[%mul3A_2] : memref<4096xi32, #tpu.memory_space<hbm>> -> memref<128xi32, #tpu.memory_space<hbm>>
      tpu.enqueue_dma source(%dma_start3A_38 : memref<128xi32, #tpu.memory_space<hbm>>) target(%arg15 : memref<128xi32, #tpu.memory_space<vmem>>) target_semaphore(%run_scoped3A : memref<!tpu.dma_semaphore, #tpu.memory_space<semaphore_mem>>)
      %dma_wait3A_39 = tpu.memref_slice %arg6[%mul3A_2] : memref<4096xi32, #tpu.memory_space<hbm>> -> memref<128xi32, #tpu.memory_space<hbm>>
      %dma_wait3A_40 = tpu.memref_slice %arg6[%mul3A_2] : memref<4096xi32, #tpu.memory_space<hbm>> -> memref<128xi32, #tpu.memory_space<hbm>>
      tpu.wait_dma2 semaphore(%run_scoped3A : memref<!tpu.dma_semaphore, #tpu.memory_space<semaphore_mem>>) src(%dma_wait3A_40 : memref<128xi32, #tpu.memory_space<hbm>>) dst(%arg15 : memref<128xi32, #tpu.memory_space<vmem>>)
      tpu.yield
    }) : () -> ()
    "tpu.region"() ({
      %run_scoped3A = tpu.sem_alloc : memref<!tpu.dma_semaphore, #tpu.memory_space<semaphore_mem>>
      %dma_start3A_37 = tpu.memref_slice %arg7[%mul3A_2] : memref<4096xi32, #tpu.memory_space<hbm>> -> memref<128xi32, #tpu.memory_space<hbm>>
      %dma_start3A_38 = tpu.memref_slice %arg7[%mul3A_2] : memref<4096xi32, #tpu.memory_space<hbm>> -> memref<128xi32, #tpu.memory_space<hbm>>
      tpu.enqueue_dma source(%dma_start3A_38 : memref<128xi32, #tpu.memory_space<hbm>>) target(%arg16 : memref<128xi32, #tpu.memory_space<vmem>>) target_semaphore(%run_scoped3A : memref<!tpu.dma_semaphore, #tpu.memory_space<semaphore_mem>>)
      %dma_wait3A_39 = tpu.memref_slice %arg7[%mul3A_2] : memref<4096xi32, #tpu.memory_space<hbm>> -> memref<128xi32, #tpu.memory_space<hbm>>
      %dma_wait3A_40 = tpu.memref_slice %arg7[%mul3A_2] : memref<4096xi32, #tpu.memory_space<hbm>> -> memref<128xi32, #tpu.memory_space<hbm>>
      tpu.wait_dma2 semaphore(%run_scoped3A : memref<!tpu.dma_semaphore, #tpu.memory_space<semaphore_mem>>) src(%dma_wait3A_40 : memref<128xi32, #tpu.memory_space<hbm>>) dst(%arg16 : memref<128xi32, #tpu.memory_space<vmem>>)
      tpu.yield
    }) : () -> ()
    "tpu.region"() ({
      %run_scoped3A = tpu.sem_alloc : memref<!tpu.dma_semaphore, #tpu.memory_space<semaphore_mem>>
      %dma_start3A_37 = tpu.memref_slice %arg8[%mul3A_2] : memref<4096xi32, #tpu.memory_space<hbm>> -> memref<128xi32, #tpu.memory_space<hbm>>
      %dma_start3A_38 = tpu.memref_slice %arg8[%mul3A_2] : memref<4096xi32, #tpu.memory_space<hbm>> -> memref<128xi32, #tpu.memory_space<hbm>>
      tpu.enqueue_dma source(%dma_start3A_38 : memref<128xi32, #tpu.memory_space<hbm>>) target(%arg17 : memref<128xi32, #tpu.memory_space<vmem>>) target_semaphore(%run_scoped3A : memref<!tpu.dma_semaphore, #tpu.memory_space<semaphore_mem>>)
      %dma_wait3A_39 = tpu.memref_slice %arg8[%mul3A_2] : memref<4096xi32, #tpu.memory_space<hbm>> -> memref<128xi32, #tpu.memory_space<hbm>>
      %dma_wait3A_40 = tpu.memref_slice %arg8[%mul3A_2] : memref<4096xi32, #tpu.memory_space<hbm>> -> memref<128xi32, #tpu.memory_space<hbm>>
      tpu.wait_dma2 semaphore(%run_scoped3A : memref<!tpu.dma_semaphore, #tpu.memory_space<semaphore_mem>>) src(%dma_wait3A_40 : memref<128xi32, #tpu.memory_space<hbm>>) dst(%arg17 : memref<128xi32, #tpu.memory_space<vmem>>)
      tpu.yield
    }) : () -> ()
    %dma_start3A = arith.constant 0 : i32
    %dma_start3A_3 = arith.constant 0 : i32
    %dma_start3A_4 = tpu.memref_slice %arg2[%dma_start3A, %dma_start3A_3] : memref<100000x16xf32, #tpu.memory_space<hbm>> -> memref<100000x16xf32, #tpu.memory_space<hbm>>
    tpu.enqueue_indirect_dma source(%dma_start3A_4 : memref<100000x16xf32, #tpu.memory_space<hbm>>) target(%arg18 : memref<128x16xf32, #tpu.memory_space<vmem>>) offsets(%arg15 : memref<128xi32, #tpu.memory_space<vmem>>) semaphore(%arg24 : memref<!tpu.dma_semaphore, #tpu.memory_space<semaphore_mem>>)
    %dma_start3A_5 = arith.constant 0 : i32
    %dma_start3A_6 = arith.constant 0 : i32
    %dma_start3A_7 = tpu.memref_slice %arg3[%dma_start3A_5, %dma_start3A_6] : memref<100000x16xf32, #tpu.memory_space<hbm>> -> memref<100000x16xf32, #tpu.memory_space<hbm>>
    tpu.enqueue_indirect_dma source(%dma_start3A_7 : memref<100000x16xf32, #tpu.memory_space<hbm>>) target(%arg19 : memref<128x16xf32, #tpu.memory_space<vmem>>) offsets(%arg15 : memref<128xi32, #tpu.memory_space<vmem>>) semaphore(%arg24 : memref<!tpu.dma_semaphore, #tpu.memory_space<semaphore_mem>>)
    %dma_start3A_8 = arith.constant 0 : i32
    %dma_start3A_9 = arith.constant 0 : i32
    %dma_start3A_10 = tpu.memref_slice %arg4[%dma_start3A_8, %dma_start3A_9] : memref<1000000x16xf32, #tpu.memory_space<hbm>> -> memref<1000000x16xf32, #tpu.memory_space<hbm>>
    tpu.enqueue_indirect_dma source(%dma_start3A_10 : memref<1000000x16xf32, #tpu.memory_space<hbm>>) target(%arg20 : memref<128x16xf32, #tpu.memory_space<vmem>>) offsets(%arg16 : memref<128xi32, #tpu.memory_space<vmem>>) semaphore(%arg24 : memref<!tpu.dma_semaphore, #tpu.memory_space<semaphore_mem>>)
    %dma_start3A_11 = arith.constant 0 : i32
    %dma_start3A_12 = arith.constant 0 : i32
    %dma_start3A_13 = tpu.memref_slice %arg5[%dma_start3A_11, %dma_start3A_12] : memref<1000000x16xf32, #tpu.memory_space<hbm>> -> memref<1000000x16xf32, #tpu.memory_space<hbm>>
    tpu.enqueue_indirect_dma source(%dma_start3A_13 : memref<1000000x16xf32, #tpu.memory_space<hbm>>) target(%arg21 : memref<128x16xf32, #tpu.memory_space<vmem>>) offsets(%arg16 : memref<128xi32, #tpu.memory_space<vmem>>) semaphore(%arg24 : memref<!tpu.dma_semaphore, #tpu.memory_space<semaphore_mem>>)
    %dma_start3A_14 = arith.constant 0 : i32
    %dma_start3A_15 = arith.constant 0 : i32
    %dma_start3A_16 = tpu.memref_slice %arg4[%dma_start3A_14, %dma_start3A_15] : memref<1000000x16xf32, #tpu.memory_space<hbm>> -> memref<1000000x16xf32, #tpu.memory_space<hbm>>
    tpu.enqueue_indirect_dma source(%dma_start3A_16 : memref<1000000x16xf32, #tpu.memory_space<hbm>>) target(%arg22 : memref<128x16xf32, #tpu.memory_space<vmem>>) offsets(%arg17 : memref<128xi32, #tpu.memory_space<vmem>>) semaphore(%arg24 : memref<!tpu.dma_semaphore, #tpu.memory_space<semaphore_mem>>)
    %dma_start3A_17 = arith.constant 0 : i32
    %dma_start3A_18 = arith.constant 0 : i32
    %dma_start3A_19 = tpu.memref_slice %arg5[%dma_start3A_17, %dma_start3A_18] : memref<1000000x16xf32, #tpu.memory_space<hbm>> -> memref<1000000x16xf32, #tpu.memory_space<hbm>>
    tpu.enqueue_indirect_dma source(%dma_start3A_19 : memref<1000000x16xf32, #tpu.memory_space<hbm>>) target(%arg23 : memref<128x16xf32, #tpu.memory_space<vmem>>) offsets(%arg17 : memref<128xi32, #tpu.memory_space<vmem>>) semaphore(%arg24 : memref<!tpu.dma_semaphore, #tpu.memory_space<semaphore_mem>>)
    %dma_wait3A = arith.constant 0 : i32
    %dma_wait3A_20 = arith.constant 0 : i32
    %dma_wait3A_21 = tpu.memref_slice %arg2[%dma_wait3A, %dma_wait3A_20] : memref<100000x16xf32, #tpu.memory_space<hbm>> -> memref<100000x16xf32, #tpu.memory_space<hbm>>
    tpu.wait_indirect_dma semaphore(%arg24 : memref<!tpu.dma_semaphore, #tpu.memory_space<semaphore_mem>>) src(%dma_wait3A_21 : memref<100000x16xf32, #tpu.memory_space<hbm>>) dst(%arg18 : memref<128x16xf32, #tpu.memory_space<vmem>>)
    "tpu.region"() ({
      %run_scoped3A = tpu.sem_alloc : memref<!tpu.dma_semaphore, #tpu.memory_space<semaphore_mem>>
      %dma_start3A_37 = arith.constant 0 : i32
      %dma_start3A_38 = tpu.memref_slice %arg9[%mul3A_2, %dma_start3A_37] : memref<4096x16xf32, #tpu.memory_space<hbm>> -> memref<128x16xf32, #tpu.memory_space<hbm>>
      %dma_start3A_39 = arith.constant 0 : i32
      %dma_start3A_40 = tpu.memref_slice %arg9[%mul3A_2, %dma_start3A_39] : memref<4096x16xf32, #tpu.memory_space<hbm>> -> memref<128x16xf32, #tpu.memory_space<hbm>>
      tpu.enqueue_dma source(%arg18 : memref<128x16xf32, #tpu.memory_space<vmem>>) target(%dma_start3A_40 : memref<128x16xf32, #tpu.memory_space<hbm>>) target_semaphore(%run_scoped3A : memref<!tpu.dma_semaphore, #tpu.memory_space<semaphore_mem>>)
      %dma_wait3A_41 = arith.constant 0 : i32
      %dma_wait3A_42 = tpu.memref_slice %arg9[%mul3A_2, %dma_wait3A_41] : memref<4096x16xf32, #tpu.memory_space<hbm>> -> memref<128x16xf32, #tpu.memory_space<hbm>>
      %dma_wait3A_43 = arith.constant 0 : i32
      %dma_wait3A_44 = tpu.memref_slice %arg9[%mul3A_2, %dma_wait3A_43] : memref<4096x16xf32, #tpu.memory_space<hbm>> -> memref<128x16xf32, #tpu.memory_space<hbm>>
      tpu.wait_dma2 semaphore(%run_scoped3A : memref<!tpu.dma_semaphore, #tpu.memory_space<semaphore_mem>>) src(%arg18 : memref<128x16xf32, #tpu.memory_space<vmem>>) dst(%dma_wait3A_44 : memref<128x16xf32, #tpu.memory_space<hbm>>)
      tpu.yield
    }) : () -> ()
    %dma_wait3A_22 = arith.constant 0 : i32
    %dma_wait3A_23 = arith.constant 0 : i32
    %dma_wait3A_24 = tpu.memref_slice %arg3[%dma_wait3A_22, %dma_wait3A_23] : memref<100000x16xf32, #tpu.memory_space<hbm>> -> memref<100000x16xf32, #tpu.memory_space<hbm>>
    tpu.wait_indirect_dma semaphore(%arg24 : memref<!tpu.dma_semaphore, #tpu.memory_space<semaphore_mem>>) src(%dma_wait3A_24 : memref<100000x16xf32, #tpu.memory_space<hbm>>) dst(%arg19 : memref<128x16xf32, #tpu.memory_space<vmem>>)
    "tpu.region"() ({
      %run_scoped3A = tpu.sem_alloc : memref<!tpu.dma_semaphore, #tpu.memory_space<semaphore_mem>>
      %dma_start3A_37 = arith.constant 0 : i32
      %dma_start3A_38 = tpu.memref_slice %arg10[%mul3A_2, %dma_start3A_37] : memref<4096x16xf32, #tpu.memory_space<hbm>> -> memref<128x16xf32, #tpu.memory_space<hbm>>
      %dma_start3A_39 = arith.constant 0 : i32
      %dma_start3A_40 = tpu.memref_slice %arg10[%mul3A_2, %dma_start3A_39] : memref<4096x16xf32, #tpu.memory_space<hbm>> -> memref<128x16xf32, #tpu.memory_space<hbm>>
      tpu.enqueue_dma source(%arg19 : memref<128x16xf32, #tpu.memory_space<vmem>>) target(%dma_start3A_40 : memref<128x16xf32, #tpu.memory_space<hbm>>) target_semaphore(%run_scoped3A : memref<!tpu.dma_semaphore, #tpu.memory_space<semaphore_mem>>)
      %dma_wait3A_41 = arith.constant 0 : i32
      %dma_wait3A_42 = tpu.memref_slice %arg10[%mul3A_2, %dma_wait3A_41] : memref<4096x16xf32, #tpu.memory_space<hbm>> -> memref<128x16xf32, #tpu.memory_space<hbm>>
      %dma_wait3A_43 = arith.constant 0 : i32
      %dma_wait3A_44 = tpu.memref_slice %arg10[%mul3A_2, %dma_wait3A_43] : memref<4096x16xf32, #tpu.memory_space<hbm>> -> memref<128x16xf32, #tpu.memory_space<hbm>>
      tpu.wait_dma2 semaphore(%run_scoped3A : memref<!tpu.dma_semaphore, #tpu.memory_space<semaphore_mem>>) src(%arg19 : memref<128x16xf32, #tpu.memory_space<vmem>>) dst(%dma_wait3A_44 : memref<128x16xf32, #tpu.memory_space<hbm>>)
      tpu.yield
    }) : () -> ()
    %dma_wait3A_25 = arith.constant 0 : i32
    %dma_wait3A_26 = arith.constant 0 : i32
    %dma_wait3A_27 = tpu.memref_slice %arg4[%dma_wait3A_25, %dma_wait3A_26] : memref<1000000x16xf32, #tpu.memory_space<hbm>> -> memref<1000000x16xf32, #tpu.memory_space<hbm>>
    tpu.wait_indirect_dma semaphore(%arg24 : memref<!tpu.dma_semaphore, #tpu.memory_space<semaphore_mem>>) src(%dma_wait3A_27 : memref<1000000x16xf32, #tpu.memory_space<hbm>>) dst(%arg20 : memref<128x16xf32, #tpu.memory_space<vmem>>)
    "tpu.region"() ({
      %run_scoped3A = tpu.sem_alloc : memref<!tpu.dma_semaphore, #tpu.memory_space<semaphore_mem>>
      %dma_start3A_37 = arith.constant 0 : i32
      %dma_start3A_38 = tpu.memref_slice %arg11[%mul3A_2, %dma_start3A_37] : memref<4096x16xf32, #tpu.memory_space<hbm>> -> memref<128x16xf32, #tpu.memory_space<hbm>>
      %dma_start3A_39 = arith.constant 0 : i32
      %dma_start3A_40 = tpu.memref_slice %arg11[%mul3A_2, %dma_start3A_39] : memref<4096x16xf32, #tpu.memory_space<hbm>> -> memref<128x16xf32, #tpu.memory_space<hbm>>
      tpu.enqueue_dma source(%arg20 : memref<128x16xf32, #tpu.memory_space<vmem>>) target(%dma_start3A_40 : memref<128x16xf32, #tpu.memory_space<hbm>>) target_semaphore(%run_scoped3A : memref<!tpu.dma_semaphore, #tpu.memory_space<semaphore_mem>>)
      %dma_wait3A_41 = arith.constant 0 : i32
      %dma_wait3A_42 = tpu.memref_slice %arg11[%mul3A_2, %dma_wait3A_41] : memref<4096x16xf32, #tpu.memory_space<hbm>> -> memref<128x16xf32, #tpu.memory_space<hbm>>
      %dma_wait3A_43 = arith.constant 0 : i32
      %dma_wait3A_44 = tpu.memref_slice %arg11[%mul3A_2, %dma_wait3A_43] : memref<4096x16xf32, #tpu.memory_space<hbm>> -> memref<128x16xf32, #tpu.memory_space<hbm>>
      tpu.wait_dma2 semaphore(%run_scoped3A : memref<!tpu.dma_semaphore, #tpu.memory_space<semaphore_mem>>) src(%arg20 : memref<128x16xf32, #tpu.memory_space<vmem>>) dst(%dma_wait3A_44 : memref<128x16xf32, #tpu.memory_space<hbm>>)
      tpu.yield
    }) : () -> ()
    %dma_wait3A_28 = arith.constant 0 : i32
    %dma_wait3A_29 = arith.constant 0 : i32
    %dma_wait3A_30 = tpu.memref_slice %arg5[%dma_wait3A_28, %dma_wait3A_29] : memref<1000000x16xf32, #tpu.memory_space<hbm>> -> memref<1000000x16xf32, #tpu.memory_space<hbm>>
    tpu.wait_indirect_dma semaphore(%arg24 : memref<!tpu.dma_semaphore, #tpu.memory_space<semaphore_mem>>) src(%dma_wait3A_30 : memref<1000000x16xf32, #tpu.memory_space<hbm>>) dst(%arg21 : memref<128x16xf32, #tpu.memory_space<vmem>>)
    "tpu.region"() ({
      %run_scoped3A = tpu.sem_alloc : memref<!tpu.dma_semaphore, #tpu.memory_space<semaphore_mem>>
      %dma_start3A_37 = arith.constant 0 : i32
      %dma_start3A_38 = tpu.memref_slice %arg12[%mul3A_2, %dma_start3A_37] : memref<4096x16xf32, #tpu.memory_space<hbm>> -> memref<128x16xf32, #tpu.memory_space<hbm>>
      %dma_start3A_39 = arith.constant 0 : i32
      %dma_start3A_40 = tpu.memref_slice %arg12[%mul3A_2, %dma_start3A_39] : memref<4096x16xf32, #tpu.memory_space<hbm>> -> memref<128x16xf32, #tpu.memory_space<hbm>>
      tpu.enqueue_dma source(%arg21 : memref<128x16xf32, #tpu.memory_space<vmem>>) target(%dma_start3A_40 : memref<128x16xf32, #tpu.memory_space<hbm>>) target_semaphore(%run_scoped3A : memref<!tpu.dma_semaphore, #tpu.memory_space<semaphore_mem>>)
      %dma_wait3A_41 = arith.constant 0 : i32
      %dma_wait3A_42 = tpu.memref_slice %arg12[%mul3A_2, %dma_wait3A_41] : memref<4096x16xf32, #tpu.memory_space<hbm>> -> memref<128x16xf32, #tpu.memory_space<hbm>>
      %dma_wait3A_43 = arith.constant 0 : i32
      %dma_wait3A_44 = tpu.memref_slice %arg12[%mul3A_2, %dma_wait3A_43] : memref<4096x16xf32, #tpu.memory_space<hbm>> -> memref<128x16xf32, #tpu.memory_space<hbm>>
      tpu.wait_dma2 semaphore(%run_scoped3A : memref<!tpu.dma_semaphore, #tpu.memory_space<semaphore_mem>>) src(%arg21 : memref<128x16xf32, #tpu.memory_space<vmem>>) dst(%dma_wait3A_44 : memref<128x16xf32, #tpu.memory_space<hbm>>)
      tpu.yield
    }) : () -> ()
    %dma_wait3A_31 = arith.constant 0 : i32
    %dma_wait3A_32 = arith.constant 0 : i32
    %dma_wait3A_33 = tpu.memref_slice %arg4[%dma_wait3A_31, %dma_wait3A_32] : memref<1000000x16xf32, #tpu.memory_space<hbm>> -> memref<1000000x16xf32, #tpu.memory_space<hbm>>
    tpu.wait_indirect_dma semaphore(%arg24 : memref<!tpu.dma_semaphore, #tpu.memory_space<semaphore_mem>>) src(%dma_wait3A_33 : memref<1000000x16xf32, #tpu.memory_space<hbm>>) dst(%arg22 : memref<128x16xf32, #tpu.memory_space<vmem>>)
    "tpu.region"() ({
      %run_scoped3A = tpu.sem_alloc : memref<!tpu.dma_semaphore, #tpu.memory_space<semaphore_mem>>
      %dma_start3A_37 = arith.constant 0 : i32
      %dma_start3A_38 = tpu.memref_slice %arg13[%mul3A_2, %dma_start3A_37] : memref<4096x16xf32, #tpu.memory_space<hbm>> -> memref<128x16xf32, #tpu.memory_space<hbm>>
      %dma_start3A_39 = arith.constant 0 : i32
      %dma_start3A_40 = tpu.memref_slice %arg13[%mul3A_2, %dma_start3A_39] : memref<4096x16xf32, #tpu.memory_space<hbm>> -> memref<128x16xf32, #tpu.memory_space<hbm>>
      tpu.enqueue_dma source(%arg22 : memref<128x16xf32, #tpu.memory_space<vmem>>) target(%dma_start3A_40 : memref<128x16xf32, #tpu.memory_space<hbm>>) target_semaphore(%run_scoped3A : memref<!tpu.dma_semaphore, #tpu.memory_space<semaphore_mem>>)
      %dma_wait3A_41 = arith.constant 0 : i32
      %dma_wait3A_42 = tpu.memref_slice %arg13[%mul3A_2, %dma_wait3A_41] : memref<4096x16xf32, #tpu.memory_space<hbm>> -> memref<128x16xf32, #tpu.memory_space<hbm>>
      %dma_wait3A_43 = arith.constant 0 : i32
      %dma_wait3A_44 = tpu.memref_slice %arg13[%mul3A_2, %dma_wait3A_43] : memref<4096x16xf32, #tpu.memory_space<hbm>> -> memref<128x16xf32, #tpu.memory_space<hbm>>
      tpu.wait_dma2 semaphore(%run_scoped3A : memref<!tpu.dma_semaphore, #tpu.memory_space<semaphore_mem>>) src(%arg22 : memref<128x16xf32, #tpu.memory_space<vmem>>) dst(%dma_wait3A_44 : memref<128x16xf32, #tpu.memory_space<hbm>>)
      tpu.yield
    }) : () -> ()
    %dma_wait3A_34 = arith.constant 0 : i32
    %dma_wait3A_35 = arith.constant 0 : i32
    %dma_wait3A_36 = tpu.memref_slice %arg5[%dma_wait3A_34, %dma_wait3A_35] : memref<1000000x16xf32, #tpu.memory_space<hbm>> -> memref<1000000x16xf32, #tpu.memory_space<hbm>>
    tpu.wait_indirect_dma semaphore(%arg24 : memref<!tpu.dma_semaphore, #tpu.memory_space<semaphore_mem>>) src(%dma_wait3A_36 : memref<1000000x16xf32, #tpu.memory_space<hbm>>) dst(%arg23 : memref<128x16xf32, #tpu.memory_space<vmem>>)
    "tpu.region"() ({
      %run_scoped3A = tpu.sem_alloc : memref<!tpu.dma_semaphore, #tpu.memory_space<semaphore_mem>>
      %dma_start3A_37 = arith.constant 0 : i32
      %dma_start3A_38 = tpu.memref_slice %arg14[%mul3A_2, %dma_start3A_37] : memref<4096x16xf32, #tpu.memory_space<hbm>> -> memref<128x16xf32, #tpu.memory_space<hbm>>
      %dma_start3A_39 = arith.constant 0 : i32
      %dma_start3A_40 = tpu.memref_slice %arg14[%mul3A_2, %dma_start3A_39] : memref<4096x16xf32, #tpu.memory_space<hbm>> -> memref<128x16xf32, #tpu.memory_space<hbm>>
      tpu.enqueue_dma source(%arg23 : memref<128x16xf32, #tpu.memory_space<vmem>>) target(%dma_start3A_40 : memref<128x16xf32, #tpu.memory_space<hbm>>) target_semaphore(%run_scoped3A : memref<!tpu.dma_semaphore, #tpu.memory_space<semaphore_mem>>)
      %dma_wait3A_41 = arith.constant 0 : i32
      %dma_wait3A_42 = tpu.memref_slice %arg14[%mul3A_2, %dma_wait3A_41] : memref<4096x16xf32, #tpu.memory_space<hbm>> -> memref<128x16xf32, #tpu.memory_space<hbm>>
      %dma_wait3A_43 = arith.constant 0 : i32
      %dma_wait3A_44 = tpu.memref_slice %arg14[%mul3A_2, %dma_wait3A_43] : memref<4096x16xf32, #tpu.memory_space<hbm>> -> memref<128x16xf32, #tpu.memory_space<hbm>>
      tpu.wait_dma2 semaphore(%run_scoped3A : memref<!tpu.dma_semaphore, #tpu.memory_space<semaphore_mem>>) src(%arg23 : memref<128x16xf32, #tpu.memory_space<vmem>>) dst(%dma_wait3A_44 : memref<128x16xf32, #tpu.memory_space<hbm>>)
      tpu.yield
    }) : () -> ()
    return
  }
}

module attributes {stable_mosaic.version = 14 : i64} {
  func.func @_tc_counts_body(%arg0: memref<1x8192xi32, #tpu.memory_space<vmem>>, %arg1: memref<8192x1xi32, #tpu.memory_space<vmem>>, %arg2: memref<1x4096xi32, #tpu.memory_space<vmem>>, %arg3: memref<4096x1xi32, #tpu.memory_space<vmem>>, %arg4: memref<1x8192xf32, #tpu.memory_space<vmem>>, %arg5: memref<1x4096xf32, #tpu.memory_space<vmem>>) attributes {dimension_semantics = [], scalar_prefetch = 0 : i64, scratch_operands = 0 : i64, tpu.core_type = #tpu.core_type<tc>} {
    %scan3A = arith.constant 0 : i32
    %scan3A_0 = arith.constant 32 : i32
    %scan3A_1 = arith.addi %scan3A, %scan3A_0 : i32
    %scan3A_2 = arith.constant 1 : i32
    scf.for %scan3A_9 = %scan3A to %scan3A_1 step %scan3A_2  : i32 {
      %mul3A = arith.constant 256 : i32
      %mul3A_10 = arith.muli %scan3A_9, %mul3A : i32
      %get3A = arith.constant 0 : index
      %get3A_11 = arith.index_cast %mul3A_10 : i32 to index
      %get3A_12 = vector.load %arg0[%get3A, %get3A_11] : memref<1x8192xi32, #tpu.memory_space<vmem>>, vector<1x256xi32>
      %get3A_13 = arith.constant 0 : index
      %get3A_14 = arith.constant 0 : index
      %get3A_15 = vector.load %arg1[%get3A_13, %get3A_14] : memref<8192x1xi32, #tpu.memory_space<vmem>>, vector<8192x1xi32>
      %eq3A = vector.broadcast %get3A_15 : vector<8192x1xi32> to vector<8192x256xi32>
      %eq3A_16 = vector.broadcast %get3A_12 : vector<1x256xi32> to vector<8192x256xi32>
      %eq3A_17 = arith.cmpi eq, %eq3A, %eq3A_16 : vector<8192x256xi32>
      %convert_element_type3A = arith.extui %eq3A_17 : vector<8192x256xi1> to vector<8192x256xi32>
      %convert_element_type3A_18 = arith.sitofp %convert_element_type3A : vector<8192x256xi32> to vector<8192x256xf32>
      %reduce_sum3A = arith.constant dense<0.000000e+00> : vector<256xf32>
      %reduce_sum3A_19 = vector.multi_reduction <add>, %convert_element_type3A_18, %reduce_sum3A [0] : vector<8192x256xf32> to vector<256xf32>
      %broadcast_in_dim3A = vector.shape_cast %reduce_sum3A_19 : vector<256xf32> to vector<1x256xf32>
      %div3A = arith.constant 1.000000e+00 : f32
      %div3A_20 = vector.broadcast %div3A : f32 to vector<1x256xf32>
      %div3A_21 = arith.divf %div3A_20, %broadcast_in_dim3A : vector<1x256xf32>
      %mul3A_22 = arith.constant 256 : i32
      %mul3A_23 = arith.muli %scan3A_9, %mul3A_22 : i32
      %swap3A = arith.constant 0 : index
      %swap3A_24 = arith.index_cast %mul3A_23 : i32 to index
      %swap3A_25 = vector.load %arg4[%swap3A, %swap3A_24] : memref<1x8192xf32, #tpu.memory_space<vmem>>, vector<1x256xf32>
      tpu.vector_store %arg4[%swap3A, %swap3A_24], %div3A_21 {strides = array<i32>} : memref<1x8192xf32, #tpu.memory_space<vmem>>, vector<1x256xf32>,
    }
    %scan3A_3 = arith.constant 32 : i32
    %scan3A_4 = arith.constant 0 : i32
    %scan3A_5 = arith.constant 16 : i32
    %scan3A_6 = arith.addi %scan3A_4, %scan3A_5 : i32
    %scan3A_7 = arith.constant 1 : i32
    scf.for %scan3A_9 = %scan3A_4 to %scan3A_6 step %scan3A_7  : i32 {
      %mul3A = arith.constant 256 : i32
      %mul3A_10 = arith.muli %scan3A_9, %mul3A : i32
      %get3A = arith.constant 0 : index
      %get3A_11 = arith.index_cast %mul3A_10 : i32 to index
      %get3A_12 = vector.load %arg2[%get3A, %get3A_11] : memref<1x4096xi32, #tpu.memory_space<vmem>>, vector<1x256xi32>
      %get3A_13 = arith.constant 0 : index
      %get3A_14 = arith.constant 0 : index
      %get3A_15 = vector.load %arg3[%get3A_13, %get3A_14] : memref<4096x1xi32, #tpu.memory_space<vmem>>, vector<4096x1xi32>
      %eq3A = vector.broadcast %get3A_15 : vector<4096x1xi32> to vector<4096x256xi32>
      %eq3A_16 = vector.broadcast %get3A_12 : vector<1x256xi32> to vector<4096x256xi32>
      %eq3A_17 = arith.cmpi eq, %eq3A, %eq3A_16 : vector<4096x256xi32>
      %convert_element_type3A = arith.extui %eq3A_17 : vector<4096x256xi1> to vector<4096x256xi32>
      %convert_element_type3A_18 = arith.sitofp %convert_element_type3A : vector<4096x256xi32> to vector<4096x256xf32>
      %reduce_sum3A = arith.constant dense<0.000000e+00> : vector<256xf32>
      %reduce_sum3A_19 = vector.multi_reduction <add>, %convert_element_type3A_18, %reduce_sum3A [0] : vector<4096x256xf32> to vector<256xf32>
      %broadcast_in_dim3A = vector.shape_cast %reduce_sum3A_19 : vector<256xf32> to vector<1x256xf32>
      %div3A = arith.constant 1.000000e+00 : f32
      %div3A_20 = vector.broadcast %div3A : f32 to vector<1x256xf32>
      %div3A_21 = arith.divf %div3A_20, %broadcast_in_dim3A : vector<1x256xf32>
      %mul3A_22 = arith.constant 256 : i32
      %mul3A_23 = arith.muli %scan3A_9, %mul3A_22 : i32
      %swap3A = arith.constant 0 : index
      %swap3A_24 = arith.index_cast %mul3A_23 : i32 to index
      %swap3A_25 = vector.load %arg5[%swap3A, %swap3A_24] : memref<1x4096xf32, #tpu.memory_space<vmem>>, vector<1x256xf32>
      tpu.vector_store %arg5[%swap3A, %swap3A_24], %div3A_21 {strides = array<i32>} : memref<1x4096xf32, #tpu.memory_space<vmem>>, vector<1x256xf32>,
    }
    %scan3A_8 = arith.constant 16 : i32
    return
  }
}

module attributes {stable_mosaic.version = 14 : i64} {
  func.func @_tc_loss_body(%arg0: memref<16x4096xf32, #tpu.memory_space<vmem>>, %arg1: memref<16x4096xf32, #tpu.memory_space<vmem>>, %arg2: memref<16x4096xf32, #tpu.memory_space<vmem>>, %arg3: memref<16x4096xf32, #tpu.memory_space<vmem>>, %arg4: memref<16x4096xf32, #tpu.memory_space<vmem>>, %arg5: memref<16x4096xf32, #tpu.memory_space<vmem>>, %arg6: memref<1x8192xf32, #tpu.memory_space<vmem>>, %arg7: memref<1x4096xf32, #tpu.memory_space<vmem>>, %arg8: memref<1x4096xf32, #tpu.memory_space<vmem>>, %arg9: memref<1x1xf32, #tpu.memory_space<vmem>>) attributes {dimension_semantics = [], scalar_prefetch = 0 : i64, scratch_operands = 0 : i64, tpu.core_type = #tpu.core_type<tc>} {
    %get3A = arith.constant 0 : index
    %get3A_0 = arith.constant 0 : index
    %get3A_1 = vector.load %arg6[%get3A, %get3A_0] : memref<1x8192xf32, #tpu.memory_space<vmem>>, vector<1x8192xf32>
    %slice3A = vector.extract_strided_slice %get3A_1 {offsets = [0, 0], sizes = [1, 4096], strides = [1, 1]} : vector<1x8192xf32> to vector<1x4096xf32>
    %slice3A_2 = vector.extract_strided_slice %get3A_1 {offsets = [0, 4096], sizes = [1, 4096], strides = [1, 1]} : vector<1x8192xf32> to vector<1x4096xf32>
    %get3A_3 = arith.constant 0 : index
    %get3A_4 = arith.constant 0 : index
    %get3A_5 = vector.load %arg7[%get3A_3, %get3A_4] : memref<1x4096xf32, #tpu.memory_space<vmem>>, vector<1x4096xf32>
    %reduce_sum3A = vector.shape_cast %get3A_1 : vector<1x8192xf32> to vector<1x1x8192xf32>
    %reduce_sum3A_6 = arith.constant dense<0.000000e+00> : vector<1xf32>
    %reduce_sum3A_7 = vector.multi_reduction <add>, %reduce_sum3A, %reduce_sum3A_6 [1, 2] : vector<1x1x8192xf32> to vector<1xf32>
    %reduce_sum3A_8 = vector.shape_cast %reduce_sum3A_7 : vector<1xf32> to vector<1x1x1xf32>
    %reduce_sum3A_9 = vector.extract %reduce_sum3A_8[0, 0, 0] : f32 from vector<1x1x1xf32>
    %reduce_sum3A_10 = vector.shape_cast %get3A_5 : vector<1x4096xf32> to vector<1x1x4096xf32>
    %reduce_sum3A_11 = arith.constant dense<0.000000e+00> : vector<1xf32>
    %reduce_sum3A_12 = vector.multi_reduction <add>, %reduce_sum3A_10, %reduce_sum3A_11 [1, 2] : vector<1x1x4096xf32> to vector<1xf32>
    %reduce_sum3A_13 = vector.shape_cast %reduce_sum3A_12 : vector<1xf32> to vector<1x1x1xf32>
    %reduce_sum3A_14 = vector.extract %reduce_sum3A_13[0, 0, 0] : f32 from vector<1x1x1xf32>
    %get3A_15 = arith.constant 0 : index
    %get3A_16 = arith.constant 0 : index
    %get3A_17 = vector.load %arg0[%get3A_15, %get3A_16] : memref<16x4096xf32, #tpu.memory_space<vmem>>, vector<16x4096xf32>
    %get3A_18 = arith.constant 0 : index
    %get3A_19 = arith.constant 0 : index
    %get3A_20 = vector.load %arg1[%get3A_18, %get3A_19] : memref<16x4096xf32, #tpu.memory_space<vmem>>, vector<16x4096xf32>
    %get3A_21 = arith.constant 0 : index
    %get3A_22 = arith.constant 0 : index
    %get3A_23 = vector.load %arg2[%get3A_21, %get3A_22] : memref<16x4096xf32, #tpu.memory_space<vmem>>, vector<16x4096xf32>
    %get3A_24 = arith.constant 0 : index
    %get3A_25 = arith.constant 0 : index
    %get3A_26 = vector.load %arg3[%get3A_24, %get3A_25] : memref<16x4096xf32, #tpu.memory_space<vmem>>, vector<16x4096xf32>
    %get3A_27 = arith.constant 0 : index
    %get3A_28 = arith.constant 0 : index
    %get3A_29 = vector.load %arg4[%get3A_27, %get3A_28] : memref<16x4096xf32, #tpu.memory_space<vmem>>, vector<16x4096xf32>
    %get3A_30 = arith.constant 0 : index
    %get3A_31 = arith.constant 0 : index
    %get3A_32 = vector.load %arg5[%get3A_30, %get3A_31] : memref<16x4096xf32, #tpu.memory_space<vmem>>, vector<16x4096xf32>
    %mul3A = arith.mulf %get3A_17, %get3A_23 : vector<16x4096xf32>
    %reduce_sum3A_33 = arith.constant dense<0.000000e+00> : vector<4096xf32>
    %reduce_sum3A_34 = vector.multi_reduction <add>, %mul3A, %reduce_sum3A_33 [0] : vector<16x4096xf32> to vector<4096xf32>
    %broadcast_in_dim3A = vector.shape_cast %reduce_sum3A_34 : vector<4096xf32> to vector<1x4096xf32>
    %mul3A_35 = arith.mulf %get3A_17, %get3A_29 : vector<16x4096xf32>
    %reduce_sum3A_36 = arith.constant dense<0.000000e+00> : vector<4096xf32>
    %reduce_sum3A_37 = vector.multi_reduction <add>, %mul3A_35, %reduce_sum3A_36 [0] : vector<16x4096xf32> to vector<4096xf32>
    %broadcast_in_dim3A_38 = vector.shape_cast %reduce_sum3A_37 : vector<4096xf32> to vector<1x4096xf32>
    %mul3A_39 = arith.mulf %get3A_20, %get3A_26 : vector<16x4096xf32>
    %reduce_sum3A_40 = arith.constant dense<0.000000e+00> : vector<4096xf32>
    %reduce_sum3A_41 = vector.multi_reduction <add>, %mul3A_39, %reduce_sum3A_40 [0] : vector<16x4096xf32> to vector<4096xf32>
    %broadcast_in_dim3A_42 = vector.shape_cast %reduce_sum3A_41 : vector<4096xf32> to vector<1x4096xf32>
    %mul3A_43 = arith.mulf %get3A_20, %get3A_32 : vector<16x4096xf32>
    %reduce_sum3A_44 = arith.constant dense<0.000000e+00> : vector<4096xf32>
    %reduce_sum3A_45 = vector.multi_reduction <add>, %mul3A_43, %reduce_sum3A_44 [0] : vector<16x4096xf32> to vector<4096xf32>
    %broadcast_in_dim3A_46 = vector.shape_cast %reduce_sum3A_45 : vector<4096xf32> to vector<1x4096xf32>
    %get3A_47 = arith.constant 0 : index
    %get3A_48 = arith.constant 0 : index
    %get3A_49 = vector.load %arg8[%get3A_47, %get3A_48] : memref<1x4096xf32, #tpu.memory_space<vmem>>, vector<1x4096xf32>
    %sub3A = arith.constant 1.000000e+00 : f32
    %sub3A_50 = vector.broadcast %sub3A : f32 to vector<1x4096xf32>
    %sub3A_51 = arith.subf %sub3A_50, %get3A_49 : vector<1x4096xf32>
    %sub3A_52 = arith.subf %broadcast_in_dim3A, %broadcast_in_dim3A_38 : vector<1x4096xf32>
    %neg3A = arith.constant 0.000000e+00 : f32
    %neg3A_53 = vector.broadcast %neg3A : f32 to vector<1x4096xf32>
    %neg3A_54 = arith.subf %neg3A_53, %sub3A_52 : vector<1x4096xf32>
    %exp3A = math.exp %neg3A_54 : vector<1x4096xf32>
    %add3A = arith.constant 1.000000e+00 : f32
    %add3A_55 = vector.broadcast %add3A : f32 to vector<1x4096xf32>
    %add3A_56 = arith.addf %add3A_55, %exp3A : vector<1x4096xf32>
    %div3A = arith.constant 1.000000e+00 : f32
    %div3A_57 = vector.broadcast %div3A : f32 to vector<1x4096xf32>
    %div3A_58 = arith.divf %div3A_57, %add3A_56 : vector<1x4096xf32>
    %add3A_59 = arith.constant 1.000000e-10 : f32
    %add3A_60 = vector.broadcast %add3A_59 : f32 to vector<1x4096xf32>
    %add3A_61 = arith.addf %div3A_58, %add3A_60 : vector<1x4096xf32>
    %log3A = math.log %add3A_61 : vector<1x4096xf32>
    %mul3A_62 = arith.mulf %get3A_49, %log3A : vector<1x4096xf32>
    %reduce_sum3A_63 = vector.shape_cast %mul3A_62 : vector<1x4096xf32> to vector<1x1x4096xf32>
    %reduce_sum3A_64 = arith.constant dense<0.000000e+00> : vector<1xf32>
    %reduce_sum3A_65 = vector.multi_reduction <add>, %reduce_sum3A_63, %reduce_sum3A_64 [1, 2] : vector<1x1x4096xf32> to vector<1xf32>
    %reduce_sum3A_66 = vector.shape_cast %reduce_sum3A_65 : vector<1xf32> to vector<1x1x1xf32>
    %reduce_sum3A_67 = vector.extract %reduce_sum3A_66[0, 0, 0] : f32 from vector<1x1x1xf32>
    %div3A_68 = arith.constant 4.096000e+03 : f32
    %div3A_69 = arith.divf %reduce_sum3A_67, %div3A_68 : f32
    %neg3A_70 = arith.constant 0.000000e+00 : f32
    %neg3A_71 = arith.subf %neg3A_70, %div3A_69 : f32
    %sub3A_72 = arith.subf %broadcast_in_dim3A_46, %broadcast_in_dim3A_42 : vector<1x4096xf32>
    %neg3A_73 = arith.constant 0.000000e+00 : f32
    %neg3A_74 = vector.broadcast %neg3A_73 : f32 to vector<1x4096xf32>
    %neg3A_75 = arith.subf %neg3A_74, %sub3A_72 : vector<1x4096xf32>
    %exp3A_76 = math.exp %neg3A_75 : vector<1x4096xf32>
    %add3A_77 = arith.constant 1.000000e+00 : f32
    %add3A_78 = vector.broadcast %add3A_77 : f32 to vector<1x4096xf32>
    %add3A_79 = arith.addf %add3A_78, %exp3A_76 : vector<1x4096xf32>
    %div3A_80 = arith.constant 1.000000e+00 : f32
    %div3A_81 = vector.broadcast %div3A_80 : f32 to vector<1x4096xf32>
    %div3A_82 = arith.divf %div3A_81, %add3A_79 : vector<1x4096xf32>
    %add3A_83 = arith.constant 1.000000e-10 : f32
    %add3A_84 = vector.broadcast %add3A_83 : f32 to vector<1x4096xf32>
    %add3A_85 = arith.addf %div3A_82, %add3A_84 : vector<1x4096xf32>
    %log3A_86 = math.log %add3A_85 : vector<1x4096xf32>
    %mul3A_87 = arith.mulf %get3A_49, %log3A_86 : vector<1x4096xf32>
    %reduce_sum3A_88 = vector.shape_cast %mul3A_87 : vector<1x4096xf32> to vector<1x1x4096xf32>
    %reduce_sum3A_89 = arith.constant dense<0.000000e+00> : vector<1xf32>
    %reduce_sum3A_90 = vector.multi_reduction <add>, %reduce_sum3A_88, %reduce_sum3A_89 [1, 2] : vector<1x1x4096xf32> to vector<1xf32>
    %reduce_sum3A_91 = vector.shape_cast %reduce_sum3A_90 : vector<1xf32> to vector<1x1x1xf32>
    %reduce_sum3A_92 = vector.extract %reduce_sum3A_91[0, 0, 0] : f32 from vector<1x1x1xf32>
    %div3A_93 = arith.constant 4.096000e+03 : f32
    %div3A_94 = arith.divf %reduce_sum3A_92, %div3A_93 : f32
    %neg3A_95 = arith.constant 0.000000e+00 : f32
    %neg3A_96 = arith.subf %neg3A_95, %div3A_94 : f32
    %sub3A_97 = arith.subf %broadcast_in_dim3A_42, %broadcast_in_dim3A_46 : vector<1x4096xf32>
    %neg3A_98 = arith.constant 0.000000e+00 : f32
    %neg3A_99 = vector.broadcast %neg3A_98 : f32 to vector<1x4096xf32>
    %neg3A_100 = arith.subf %neg3A_99, %sub3A_97 : vector<1x4096xf32>
    %exp3A_101 = math.exp %neg3A_100 : vector<1x4096xf32>
    %add3A_102 = arith.constant 1.000000e+00 : f32
    %add3A_103 = vector.broadcast %add3A_102 : f32 to vector<1x4096xf32>
    %add3A_104 = arith.addf %add3A_103, %exp3A_101 : vector<1x4096xf32>
    %div3A_105 = arith.constant 1.000000e+00 : f32
    %div3A_106 = vector.broadcast %div3A_105 : f32 to vector<1x4096xf32>
    %div3A_107 = arith.divf %div3A_106, %add3A_104 : vector<1x4096xf32>
    %add3A_108 = arith.constant 1.000000e-10 : f32
    %add3A_109 = vector.broadcast %add3A_108 : f32 to vector<1x4096xf32>
    %add3A_110 = arith.addf %div3A_107, %add3A_109 : vector<1x4096xf32>
    %log3A_111 = math.log %add3A_110 : vector<1x4096xf32>
    %mul3A_112 = arith.mulf %sub3A_51, %log3A_111 : vector<1x4096xf32>
    %reduce_sum3A_113 = vector.shape_cast %mul3A_112 : vector<1x4096xf32> to vector<1x1x4096xf32>
    %reduce_sum3A_114 = arith.constant dense<0.000000e+00> : vector<1xf32>
    %reduce_sum3A_115 = vector.multi_reduction <add>, %reduce_sum3A_113, %reduce_sum3A_114 [1, 2] : vector<1x1x4096xf32> to vector<1xf32>
    %reduce_sum3A_116 = vector.shape_cast %reduce_sum3A_115 : vector<1xf32> to vector<1x1x1xf32>
    %reduce_sum3A_117 = vector.extract %reduce_sum3A_116[0, 0, 0] : f32 from vector<1x1x1xf32>
    %div3A_118 = arith.constant 4.096000e+03 : f32
    %div3A_119 = arith.divf %reduce_sum3A_117, %div3A_118 : f32
    %sub3A_120 = arith.subf %neg3A_96, %div3A_119 : f32
    %add3A_121 = arith.addf %broadcast_in_dim3A, %broadcast_in_dim3A_42 : vector<1x4096xf32>
    %add3A_122 = arith.addf %broadcast_in_dim3A_38, %broadcast_in_dim3A_46 : vector<1x4096xf32>
    %sub3A_123 = arith.subf %add3A_121, %add3A_122 : vector<1x4096xf32>
    %neg3A_124 = arith.constant 0.000000e+00 : f32
    %neg3A_125 = vector.broadcast %neg3A_124 : f32 to vector<1x4096xf32>
    %neg3A_126 = arith.subf %neg3A_125, %sub3A_123 : vector<1x4096xf32>
    %exp3A_127 = math.exp %neg3A_126 : vector<1x4096xf32>
    %add3A_128 = arith.constant 1.000000e+00 : f32
    %add3A_129 = vector.broadcast %add3A_128 : f32 to vector<1x4096xf32>
    %add3A_130 = arith.addf %add3A_129, %exp3A_127 : vector<1x4096xf32>
    %div3A_131 = arith.constant 1.000000e+00 : f32
    %div3A_132 = vector.broadcast %div3A_131 : f32 to vector<1x4096xf32>
    %div3A_133 = arith.divf %div3A_132, %add3A_130 : vector<1x4096xf32>
    %add3A_134 = arith.constant 1.000000e-10 : f32
    %add3A_135 = vector.broadcast %add3A_134 : f32 to vector<1x4096xf32>
    %add3A_136 = arith.addf %div3A_133, %add3A_135 : vector<1x4096xf32>
    %log3A_137 = math.log %add3A_136 : vector<1x4096xf32>
    %reduce_sum3A_138 = vector.shape_cast %log3A_137 : vector<1x4096xf32> to vector<1x1x4096xf32>
    %reduce_sum3A_139 = arith.constant dense<0.000000e+00> : vector<1xf32>
    %reduce_sum3A_140 = vector.multi_reduction <add>, %reduce_sum3A_138, %reduce_sum3A_139 [1, 2] : vector<1x1x4096xf32> to vector<1xf32>
    %reduce_sum3A_141 = vector.shape_cast %reduce_sum3A_140 : vector<1xf32> to vector<1x1x1xf32>
    %reduce_sum3A_142 = vector.extract %reduce_sum3A_141[0, 0, 0] : f32 from vector<1x1x1xf32>
    %div3A_143 = arith.constant 4.096000e+03 : f32
    %div3A_144 = arith.divf %reduce_sum3A_142, %div3A_143 : f32
    %neg3A_145 = arith.constant 0.000000e+00 : f32
    %neg3A_146 = arith.subf %neg3A_145, %div3A_144 : f32
    %sub3A_147 = arith.subf %get3A_23, %get3A_26 : vector<16x4096xf32>
    %integer_pow3A = arith.mulf %sub3A_147, %sub3A_147 : vector<16x4096xf32>
    %mul3A_148 = vector.broadcast %slice3A : vector<1x4096xf32> to vector<16x4096xf32>
    %mul3A_149 = arith.mulf %mul3A_148, %integer_pow3A : vector<16x4096xf32>
    %reduce_sum3A_150 = vector.shape_cast %mul3A_149 : vector<16x4096xf32> to vector<1x16x4096xf32>
    %reduce_sum3A_151 = arith.constant dense<0.000000e+00> : vector<1xf32>
    %reduce_sum3A_152 = vector.multi_reduction <add>, %reduce_sum3A_150, %reduce_sum3A_151 [1, 2] : vector<1x16x4096xf32> to vector<1xf32>
    %reduce_sum3A_153 = vector.shape_cast %reduce_sum3A_152 : vector<1xf32> to vector<1x1x1xf32>
    %reduce_sum3A_154 = vector.extract %reduce_sum3A_153[0, 0, 0] : f32 from vector<1x1x1xf32>
    %sub3A_155 = arith.subf %get3A_29, %get3A_32 : vector<16x4096xf32>
    %integer_pow3A_156 = arith.mulf %sub3A_155, %sub3A_155 : vector<16x4096xf32>
    %mul3A_157 = vector.broadcast %slice3A_2 : vector<1x4096xf32> to vector<16x4096xf32>
    %mul3A_158 = arith.mulf %mul3A_157, %integer_pow3A_156 : vector<16x4096xf32>
    %reduce_sum3A_159 = vector.shape_cast %mul3A_158 : vector<16x4096xf32> to vector<1x16x4096xf32>
    %reduce_sum3A_160 = arith.constant dense<0.000000e+00> : vector<1xf32>
    %reduce_sum3A_161 = vector.multi_reduction <add>, %reduce_sum3A_159, %reduce_sum3A_160 [1, 2] : vector<1x16x4096xf32> to vector<1xf32>
    %reduce_sum3A_162 = vector.shape_cast %reduce_sum3A_161 : vector<1xf32> to vector<1x1x1xf32>
    %reduce_sum3A_163 = vector.extract %reduce_sum3A_162[0, 0, 0] : f32 from vector<1x1x1xf32>
    %add3A_164 = arith.addf %reduce_sum3A_154, %reduce_sum3A_163 : f32
    %sub3A_165 = arith.subf %get3A_17, %get3A_20 : vector<16x4096xf32>
    %integer_pow3A_166 = arith.mulf %sub3A_165, %sub3A_165 : vector<16x4096xf32>
    %mul3A_167 = vector.broadcast %get3A_5 : vector<1x4096xf32> to vector<16x4096xf32>
    %mul3A_168 = arith.mulf %mul3A_167, %integer_pow3A_166 : vector<16x4096xf32>
    %reduce_sum3A_169 = vector.shape_cast %mul3A_168 : vector<16x4096xf32> to vector<1x16x4096xf32>
    %reduce_sum3A_170 = arith.constant dense<0.000000e+00> : vector<1xf32>
    %reduce_sum3A_171 = vector.multi_reduction <add>, %reduce_sum3A_169, %reduce_sum3A_170 [1, 2] : vector<1x16x4096xf32> to vector<1xf32>
    %reduce_sum3A_172 = vector.shape_cast %reduce_sum3A_171 : vector<1xf32> to vector<1x1x1xf32>
    %reduce_sum3A_173 = vector.extract %reduce_sum3A_172[0, 0, 0] : f32 from vector<1x1x1xf32>
    %mul3A_174 = arith.constant 1.600000e+01 : f32
    %mul3A_175 = arith.mulf %reduce_sum3A_9, %mul3A_174 : f32
    %div3A_176 = arith.divf %add3A_164, %mul3A_175 : f32
    %mul3A_177 = arith.constant 1.600000e+01 : f32
    %mul3A_178 = arith.mulf %reduce_sum3A_14, %mul3A_177 : f32
    %div3A_179 = arith.divf %reduce_sum3A_173, %mul3A_178 : f32
    %add3A_180 = arith.addf %div3A_176, %div3A_179 : f32
    %mul3A_181 = arith.constant 4.096000e+03 : f32
    %mul3A_182 = arith.mulf %mul3A_181, %reduce_sum3A_9 : f32
    %mul3A_183 = vector.broadcast %slice3A : vector<1x4096xf32> to vector<16x4096xf32>
    %mul3A_184 = arith.mulf %mul3A_183, %get3A_23 : vector<16x4096xf32>
    %reduce_sum3A_185 = arith.constant dense<0.000000e+00> : vector<16xf32>
    %reduce_sum3A_186 = vector.multi_reduction <add>, %mul3A_184, %reduce_sum3A_185 [1] : vector<16x4096xf32> to vector<16xf32>
    %broadcast_in_dim3A_187 = vector.shape_cast %reduce_sum3A_186 : vector<16xf32> to vector<16x1xf32>
    %mul3A_188 = vector.broadcast %slice3A_2 : vector<1x4096xf32> to vector<16x4096xf32>
    %mul3A_189 = arith.mulf %mul3A_188, %get3A_29 : vector<16x4096xf32>
    %reduce_sum3A_190 = arith.constant dense<0.000000e+00> : vector<16xf32>
    %reduce_sum3A_191 = vector.multi_reduction <add>, %mul3A_189, %reduce_sum3A_190 [1] : vector<16x4096xf32> to vector<16xf32>
    %broadcast_in_dim3A_192 = vector.shape_cast %reduce_sum3A_191 : vector<16xf32> to vector<16x1xf32>
    %add3A_193 = arith.addf %broadcast_in_dim3A_187, %broadcast_in_dim3A_192 : vector<16x1xf32>
    %mul3A_194 = vector.broadcast %slice3A : vector<1x4096xf32> to vector<16x4096xf32>
    %mul3A_195 = arith.mulf %mul3A_194, %get3A_26 : vector<16x4096xf32>
    %reduce_sum3A_196 = arith.constant dense<0.000000e+00> : vector<16xf32>
    %reduce_sum3A_197 = vector.multi_reduction <add>, %mul3A_195, %reduce_sum3A_196 [1] : vector<16x4096xf32> to vector<16xf32>
    %broadcast_in_dim3A_198 = vector.shape_cast %reduce_sum3A_197 : vector<16xf32> to vector<16x1xf32>
    %mul3A_199 = vector.broadcast %slice3A_2 : vector<1x4096xf32> to vector<16x4096xf32>
    %mul3A_200 = arith.mulf %mul3A_199, %get3A_32 : vector<16x4096xf32>
    %reduce_sum3A_201 = arith.constant dense<0.000000e+00> : vector<16xf32>
    %reduce_sum3A_202 = vector.multi_reduction <add>, %mul3A_200, %reduce_sum3A_201 [1] : vector<16x4096xf32> to vector<16xf32>
    %broadcast_in_dim3A_203 = vector.shape_cast %reduce_sum3A_202 : vector<16xf32> to vector<16x1xf32>
    %add3A_204 = arith.addf %broadcast_in_dim3A_198, %broadcast_in_dim3A_203 : vector<16x1xf32>
    %dot_general3A = arith.constant dense<0.000000e+00> : vector<16x16xf32>
    %dot_general3A_205 = tpu.matmul %get3A_17, %get3A_17, %dot_general3A {dimension_numbers = #tpu.dot_dimension_numbers<[1], [1], [0], [0], [0, 0, 1, 0], [], []>, precision = #tpu.contract_precision<fp32>, transpose_lhs_hint = false} : vector<16x4096xf32>, vector<16x4096xf32>, vector<16x16xf32> -> vector<16x16xf32>
    %dot_general3A_206 = arith.constant dense<0.000000e+00> : vector<16x16xf32>
    %dot_general3A_207 = tpu.matmul %get3A_20, %get3A_20, %dot_general3A_206 {dimension_numbers = #tpu.dot_dimension_numbers<[1], [1], [0], [0], [0, 0, 1, 0], [], []>, precision = #tpu.contract_precision<fp32>, transpose_lhs_hint = false} : vector<16x4096xf32>, vector<16x4096xf32>, vector<16x16xf32> -> vector<16x16xf32>
    %mul3A_208 = vector.broadcast %slice3A : vector<1x4096xf32> to vector<16x4096xf32>
    %mul3A_209 = arith.mulf %mul3A_208, %get3A_23 : vector<16x4096xf32>
    %dot_general3A_210 = arith.constant dense<0.000000e+00> : vector<16x16xf32>
    %dot_general3A_211 = tpu.matmul %mul3A_209, %get3A_23, %dot_general3A_210 {dimension_numbers = #tpu.dot_dimension_numbers<[1], [1], [0], [0], [0, 0, 1, 0], [], []>, precision = #tpu.contract_precision<fp32>, transpose_lhs_hint = false} : vector<16x4096xf32>, vector<16x4096xf32>, vector<16x16xf32> -> vector<16x16xf32>
    %mul3A_212 = vector.broadcast %slice3A_2 : vector<1x4096xf32> to vector<16x4096xf32>
    %mul3A_213 = arith.mulf %mul3A_212, %get3A_29 : vector<16x4096xf32>
    %dot_general3A_214 = arith.constant dense<0.000000e+00> : vector<16x16xf32>
    %dot_general3A_215 = tpu.matmul %mul3A_213, %get3A_29, %dot_general3A_214 {dimension_numbers = #tpu.dot_dimension_numbers<[1], [1], [0], [0], [0, 0, 1, 0], [], []>, precision = #tpu.contract_precision<fp32>, transpose_lhs_hint = false} : vector<16x4096xf32>, vector<16x4096xf32>, vector<16x16xf32> -> vector<16x16xf32>
    %add3A_216 = arith.addf %dot_general3A_211, %dot_general3A_215 : vector<16x16xf32>
    %mul3A_217 = vector.broadcast %slice3A : vector<1x4096xf32> to vector<16x4096xf32>
    %mul3A_218 = arith.mulf %mul3A_217, %get3A_26 : vector<16x4096xf32>
    %dot_general3A_219 = arith.constant dense<0.000000e+00> : vector<16x16xf32>
    %dot_general3A_220 = tpu.matmul %mul3A_218, %get3A_26, %dot_general3A_219 {dimension_numbers = #tpu.dot_dimension_numbers<[1], [1], [0], [0], [0, 0, 1, 0], [], []>, precision = #tpu.contract_precision<fp32>, transpose_lhs_hint = false} : vector<16x4096xf32>, vector<16x4096xf32>, vector<16x16xf32> -> vector<16x16xf32>
    %mul3A_221 = vector.broadcast %slice3A_2 : vector<1x4096xf32> to vector<16x4096xf32>
    %mul3A_222 = arith.mulf %mul3A_221, %get3A_32 : vector<16x4096xf32>
    %dot_general3A_223 = arith.constant dense<0.000000e+00> : vector<16x16xf32>
    %dot_general3A_224 = tpu.matmul %mul3A_222, %get3A_32, %dot_general3A_223 {dimension_numbers = #tpu.dot_dimension_numbers<[1], [1], [0], [0], [0, 0, 1, 0], [], []>, precision = #tpu.contract_precision<fp32>, transpose_lhs_hint = false} : vector<16x4096xf32>, vector<16x4096xf32>, vector<16x16xf32> -> vector<16x16xf32>
    %add3A_225 = arith.addf %dot_general3A_220, %dot_general3A_224 : vector<16x16xf32>
    %reduce_sum3A_226 = arith.constant dense<0.000000e+00> : vector<16xf32>
    %reduce_sum3A_227 = vector.multi_reduction <add>, %get3A_17, %reduce_sum3A_226 [1] : vector<16x4096xf32> to vector<16xf32>
    %broadcast_in_dim3A_228 = vector.shape_cast %reduce_sum3A_227 : vector<16xf32> to vector<16x1xf32>
    %mul3A_229 = arith.mulf %broadcast_in_dim3A_228, %add3A_193 : vector<16x1xf32>
    %reduce_sum3A_230 = vector.shape_cast %mul3A_229 : vector<16x1xf32> to vector<1x16x1xf32>
    %reduce_sum3A_231 = arith.constant dense<0.000000e+00> : vector<1xf32>
    %reduce_sum3A_232 = vector.multi_reduction <add>, %reduce_sum3A_230, %reduce_sum3A_231 [1, 2] : vector<1x16x1xf32> to vector<1xf32>
    %reduce_sum3A_233 = vector.shape_cast %reduce_sum3A_232 : vector<1xf32> to vector<1x1x1xf32>
    %reduce_sum3A_234 = vector.extract %reduce_sum3A_233[0, 0, 0] : f32 from vector<1x1x1xf32>
    %mul3A_235 = arith.mulf %dot_general3A_205, %add3A_216 : vector<16x16xf32>
    %reduce_sum3A_236 = vector.shape_cast %mul3A_235 : vector<16x16xf32> to vector<1x16x16xf32>
    %reduce_sum3A_237 = arith.constant dense<0.000000e+00> : vector<1xf32>
    %reduce_sum3A_238 = vector.multi_reduction <add>, %reduce_sum3A_236, %reduce_sum3A_237 [1, 2] : vector<1x16x16xf32> to vector<1xf32>
    %reduce_sum3A_239 = vector.shape_cast %reduce_sum3A_238 : vector<1xf32> to vector<1x1x1xf32>
    %reduce_sum3A_240 = vector.extract %reduce_sum3A_239[0, 0, 0] : f32 from vector<1x1x1xf32>
    %div3A_241 = arith.divf %reduce_sum3A_234, %mul3A_182 : f32
    %mul3A_242 = arith.mulf %reduce_sum3A_234, %reduce_sum3A_234 : f32
    %div3A_243 = arith.divf %mul3A_242, %mul3A_182 : f32
    %sub3A_244 = arith.subf %reduce_sum3A_240, %div3A_243 : f32
    %sub3A_245 = arith.constant 1.000000e+00 : f32
    %sub3A_246 = arith.subf %mul3A_182, %sub3A_245 : f32
    %div3A_247 = arith.divf %sub3A_244, %sub3A_246 : f32
    %log3A_248 = math.log %div3A_247 : f32
    %mul3A_249 = arith.constant -5.000000e-01 : f32
    %mul3A_250 = arith.mulf %mul3A_249, %log3A_248 : f32
    %mul3A_251 = arith.mulf %div3A_241, %div3A_241 : f32
    %add3A_252 = arith.addf %div3A_247, %mul3A_251 : f32
    %div3A_253 = arith.constant 2.000000e+00 : f32
    %div3A_254 = arith.divf %add3A_252, %div3A_253 : f32
    %add3A_255 = arith.addf %mul3A_250, %div3A_254 : f32
    %sub3A_256 = arith.constant 5.000000e-01 : f32
    %sub3A_257 = arith.subf %add3A_255, %sub3A_256 : f32
    %reduce_sum3A_258 = arith.constant dense<0.000000e+00> : vector<16xf32>
    %reduce_sum3A_259 = vector.multi_reduction <add>, %get3A_20, %reduce_sum3A_258 [1] : vector<16x4096xf32> to vector<16xf32>
    %broadcast_in_dim3A_260 = vector.shape_cast %reduce_sum3A_259 : vector<16xf32> to vector<16x1xf32>
    %mul3A_261 = arith.mulf %broadcast_in_dim3A_260, %add3A_204 : vector<16x1xf32>
    %reduce_sum3A_262 = vector.shape_cast %mul3A_261 : vector<16x1xf32> to vector<1x16x1xf32>
    %reduce_sum3A_263 = arith.constant dense<0.000000e+00> : vector<1xf32>
    %reduce_sum3A_264 = vector.multi_reduction <add>, %reduce_sum3A_262, %reduce_sum3A_263 [1, 2] : vector<1x16x1xf32> to vector<1xf32>
    %reduce_sum3A_265 = vector.shape_cast %reduce_sum3A_264 : vector<1xf32> to vector<1x1x1xf32>
    %reduce_sum3A_266 = vector.extract %reduce_sum3A_265[0, 0, 0] : f32 from vector<1x1x1xf32>
    %mul3A_267 = arith.mulf %dot_general3A_207, %add3A_225 : vector<16x16xf32>
    %reduce_sum3A_268 = vector.shape_cast %mul3A_267 : vector<16x16xf32> to vector<1x16x16xf32>
    %reduce_sum3A_269 = arith.constant dense<0.000000e+00> : vector<1xf32>
    %reduce_sum3A_270 = vector.multi_reduction <add>, %reduce_sum3A_268, %reduce_sum3A_269 [1, 2] : vector<1x16x16xf32> to vector<1xf32>
    %reduce_sum3A_271 = vector.shape_cast %reduce_sum3A_270 : vector<1xf32> to vector<1x1x1xf32>
    %reduce_sum3A_272 = vector.extract %reduce_sum3A_271[0, 0, 0] : f32 from vector<1x1x1xf32>
    %div3A_273 = arith.divf %reduce_sum3A_266, %mul3A_182 : f32
    %mul3A_274 = arith.mulf %reduce_sum3A_266, %reduce_sum3A_266 : f32
    %div3A_275 = arith.divf %mul3A_274, %mul3A_182 : f32
    %sub3A_276 = arith.subf %reduce_sum3A_272, %div3A_275 : f32
    %sub3A_277 = arith.constant 1.000000e+00 : f32
    %sub3A_278 = arith.subf %mul3A_182, %sub3A_277 : f32
    %div3A_279 = arith.divf %sub3A_276, %sub3A_278 : f32
    %log3A_280 = math.log %div3A_279 : f32
    %mul3A_281 = arith.constant -5.000000e-01 : f32
    %mul3A_282 = arith.mulf %mul3A_281, %log3A_280 : f32
    %mul3A_283 = arith.mulf %div3A_273, %div3A_273 : f32
    %add3A_284 = arith.addf %div3A_279, %mul3A_283 : f32
    %div3A_285 = arith.constant 2.000000e+00 : f32
    %div3A_286 = arith.divf %add3A_284, %div3A_285 : f32
    %add3A_287 = arith.addf %mul3A_282, %div3A_286 : f32
    %sub3A_288 = arith.constant 5.000000e-01 : f32
    %sub3A_289 = arith.subf %add3A_287, %sub3A_288 : f32
    %mul3A_290 = arith.constant 1.000000e-01 : f32
    %mul3A_291 = arith.mulf %mul3A_290, %neg3A_71 : f32
    %mul3A_292 = arith.constant 1.000000e-01 : f32
    %mul3A_293 = arith.mulf %mul3A_292, %sub3A_120 : f32
    %add3A_294 = arith.addf %mul3A_291, %mul3A_293 : f32
    %add3A_295 = arith.addf %add3A_294, %neg3A_146 : f32
    %mul3A_296 = arith.constant 0.00999999977 : f32
    %mul3A_297 = arith.mulf %mul3A_296, %add3A_180 : f32
    %sub3A_298 = arith.subf %add3A_295, %mul3A_297 : f32
    %add3A_299 = arith.addf %sub3A_257, %sub3A_289 : f32
    %mul3A_300 = arith.constant 0.00999999977 : f32
    %mul3A_301 = arith.mulf %mul3A_300, %add3A_299 : f32
    %add3A_302 = arith.addf %sub3A_298, %mul3A_301 : f32
    %broadcast_in_dim3A_303 = vector.broadcast %add3A_302 : f32 to vector<1x1xf32>
    %swap3A = arith.constant 0 : index
    %swap3A_304 = arith.constant 0 : index
    %swap3A_305 = vector.load %arg9[%swap3A, %swap3A_304] : memref<1x1xf32, #tpu.memory_space<vmem>>, vector<1x1xf32>
    tpu.vector_store %arg9[%swap3A, %swap3A_304], %broadcast_in_dim3A_303 {strides = array<i32>} : memref<1x1xf32, #tpu.memory_space<vmem>>, vector<1x1xf32>,
    return
  }
}

</mosaic_0001>

<sc_bundles>
// kernel: kernel.5.cloned.1.call-start
scs
__scs_entry_jumppad:
0x0: {  	(pc) =	sbr.rel $0x88, $3  }
0x1: {  	(tag) =	ssettag $0x0;
	lr =	simm.s32 $0x1  }
0x2: {  	[smem:$0x3F99] =	sst lr;
	_ =	strace $0xD0000000  }
0x3: {  	_ = 	snop  }
0x4: {  	_ = 	snop  }
0x5: {  	_ = 	snop  }
0x6: {  	_ = 	snop  }
0x7: {  	_ = 	snop  }
__scs_overlays_trampoline_lowered:
0x8: {  	[smem:$0x3FA8] =	sst s0  }
0x9: {  	[smem:$0x3FA9] =	sst s1  }
0xa: {  	[smem:$0x3FAA] =	sst s2  }
0xb: {  	[smem:$0x3FAB] =	sst s3  }
0xc: {  	[smem:$0x3FAC] =	sst s4  }
0xd: {  	[smem:$0x3FAD] =	sst s5  }
0xe: {  	[smem:$0x3FAE] =	sst s6  }
0xf: {  	[smem:$0x3FAF] =	sst s7  }
0x10: {  	[smem:$0x3FB0] =	sst s8  }
0x11: {  	[smem:$0x3FB1] =	sst s9;
	s0 =	simm.s32 @!p0 $0x0  }
0x12: {  	s1 =	sld [smem:$0x3F97];
	s0 =	simm.s32 @p0 $0x1  }
0x13: {  	[smem:$0x3FB2] =	sst s0;
	s0 =	simm.s32 @!p1 $0x0  }
0x14: {  	s2 =	sld [smem:$0x3F96];
	s0 =	simm.s32 @p1 $0x1  }
0x15: {  	[smem:$0x3FB3] =	sst s0;
	s0 =	simm.s32 @!p2 $0x0  }
0x16: {  	s3 =	sld [smem:$0x3FDB];
	s0 =	simm.s32 @p2 $0x1  }
0x17: {  	s4 =	simm.s32 $0x1BF5;
	[smem:$0x3FB5] =	sst s0  }
0x18: {  	s0 =	sld [smem:$0x3F98];
	_ =	swait.ge [sflag:s4], $0x0  }
0x19: {  	s7 =	sld [smem:$0x3F99]  }
0x1a: {  	s8 =	sadd.s32 $0xFFFFE003, lr  }
0x1b: {  	s9 =	sadd.s32 $0xFFFFFEF7, lr;
	s5 =	simm.s32 $0xFFFFFFFF;
	p2 =	slt.u32 s8, $0xFFFFF086  }
0x1c: {  	p1 =	slt.u32 s9, $0xF7A;
	s5 =	simm.s32 @!p2 $0x0  }
0x1d: {  	s5 =	simm.s32 @p1 $0x1;
	p0 =	seq.s32 s7, s2  }
0x1e: {  	s7 =	smul.u32 @!p0 $0xF7A, s2;
	p2 =	seq.s32 @!p0 s5, $0x0  }
0x1f: {  	s9 =	smul.u32 $0xF7A, s1;
	s8 =	simm.s32 @!p0 $0x1BF5;
	p2 =	por !p2, p0  }
0x20: {  	[sflag:s8] =	ssyncset.s32 @!p0 $0xFFFFF086;
	s6 =	sadd.s32 @!p0 s3, s7;
	s7 =	simm.s32 @!p0 $0x108  }
0x21: {  	s3 =	sadd.s32 s3, s9;
	s6 =	sadd.s32 @!p0 $0x88, s6;
	s7 =	simm.s32 @p2 $0x1082  }
0x22: {  	[simem:s7], [sflag:s8] =	dma.local @!p0 [hbm:s6], $0xF7A  }
0x23: {  	s9 =	sor.u32 $0xD0000000, s2;
	s6 =	simm.s32 $0x108;
	_ =	swait.ge @!p0 [sflag:s8], $0x0  }
0x24: {  	s3 =	sadd.s32 $0x88, s3;
	s6 =	simm.s32 @!p1 $0x1082;
	[sflag:s4] =	ssyncset.s32 $0xFFFFF086  }
0x25: {  	[simem:s6], [sflag:s4] =	dma.local [hbm:s3], $0xF7A  }
0x26: {  	[smem:$0x3F99] =	sst s1;
	(tag) =	ssettag s2;
	_ =	strace s9  }
0x27: {  	s1 =	sld [smem:$0x3FA9]  }
0x28: {  	s2 =	sld [smem:$0x3FAA]  }
0x29: {  	s4 =	sld [smem:$0x3FAC]  }
0x2a: {  	p0 =	seq.s32 s5, $0x0;
	s5 =	sld [smem:$0x3FAD]  }
0x2b: {  	s6 =	sld [smem:$0x3FAE]  }
0x2c: {  	s7 =	sld [smem:$0x3FAF]  }
0x2d: {  	s3 =	simm.s32 $0x108;
	s8 =	sld [smem:$0x3FB0]  }
0x2e: {  	s3 =	simm.s32 @!p0 $0x1082;
	s9 =	sld [smem:$0x3FB1]  }
0x2f: {  	lr =	sadd.s32 s0, s3;
	s0 =	sld [smem:$0x3FA8]  }
0x30: {  	s3 =	sld [smem:$0x3FAB]  }
0x31: {  	[smem:$0x3FB4] =	sst s10  }
0x32: {  	s10 =	sld [smem:$0x3FB2];
	_ =	sdelay $0x3  }
0x33: {  	p0 =	seq.s32 s10, $0x1;
	s10 =	sld [smem:$0x3FB4];
	_ =	sdelay $0x3  }
0x34: {  	[smem:$0x3FB4] =	sst s10  }
0x35: {  	s10 =	sld [smem:$0x3FB3];
	_ =	sdelay $0x3  }
0x36: {  	p1 =	seq.s32 s10, $0x1;
	s10 =	sld [smem:$0x3FB4];
	_ =	sdelay $0x3  }
0x37: {  	[smem:$0x3FB4] =	sst s10  }
0x38: {  	s10 =	sld [smem:$0x3FB5]  }
0x39: {  	_ = 	snop;
	(pc) =	sbr.ind lr, $3  }
0x3a: {  	_ = 	snop  }
0x3b: {  	_ = 	snop  }
0x3c: {  	p2 =	seq.s32 s10, $0x1;
	s10 =	sld [smem:$0x3FB4]  }
0x3d: {  	_ =	shalt  }
0x3e: {  	_ =	shalt  }
0x3f: {  	_ =	shalt  }
0x40: {  	_ =	shalt  }
0x41: {  	_ =	shalt  }
0x42: {  	_ =	shalt  }
0x43: {  	_ =	shalt  }
0x44: {  	_ =	shalt  }
0x45: {  	_ =	shalt  }
0x46: {  	_ =	shalt  }
0x47: {  	_ =	shalt  }
0x48: {  	_ =	shalt  }
0x49: {  	_ =	shalt  }
0x4a: {  	_ =	shalt  }
0x4b: {  	_ =	shalt  }
0x4c: {  	_ =	shalt  }
0x4d: {  	_ =	shalt  }
0x4e: {  	_ =	shalt  }
0x4f: {  	_ =	shalt  }
0x50: {  	_ =	shalt  }
0x51: {  	_ =	shalt  }
0x52: {  	_ =	shalt  }
0x53: {  	_ =	shalt  }
0x54: {  	_ =	shalt  }
0x55: {  	_ =	shalt  }
0x56: {  	_ =	shalt  }
0x57: {  	_ =	shalt  }
0x58: {  	_ =	shalt  }
0x59: {  	_ =	shalt  }
0x5a: {  	_ =	shalt  }
0x5b: {  	_ =	shalt  }
0x5c: {  	_ =	shalt  }
0x5d: {  	_ =	shalt  }
0x5e: {  	_ =	shalt  }
0x5f: {  	_ =	shalt  }
0x60: {  	_ =	shalt  }
0x61: {  	_ =	shalt  }
0x62: {  	_ =	shalt  }
0x63: {  	_ =	shalt  }
0x64: {  	_ =	shalt  }
0x65: {  	_ =	shalt  }
0x66: {  	_ =	shalt  }
0x67: {  	_ =	shalt  }
0x68: {  	_ =	shalt  }
0x69: {  	_ =	shalt  }
0x6a: {  	_ =	shalt  }
0x6b: {  	_ =	shalt  }
0x6c: {  	_ =	shalt  }
0x6d: {  	_ =	shalt  }
0x6e: {  	_ =	shalt  }
0x6f: {  	_ =	shalt  }
0x70: {  	_ =	shalt  }
0x71: {  	_ =	shalt  }
0x72: {  	_ =	shalt  }
0x73: {  	_ =	shalt  }
0x74: {  	_ =	shalt  }
0x75: {  	_ =	shalt  }
0x76: {  	_ =	shalt  }
0x77: {  	_ =	shalt  }
0x78: {  	_ =	shalt  }
0x79: {  	_ =	shalt  }
0x7a: {  	_ =	shalt  }
0x7b: {  	_ =	shalt  }
0x7c: {  	_ =	shalt  }
0x7d: {  	_ =	shalt  }
0x7e: {  	_ =	shalt  }
0x7f: {  	_ =	shalt  }
0x80: {  	_ =	shalt  }
0x81: {  	_ =	shalt  }
0x82: {  	_ =	shalt  }
0x83: {  	_ =	shalt  }
0x84: {  	_ =	shalt  }
0x85: {  	_ =	shalt  }
0x86: {  	_ =	shalt  }
0x87: {  	_ =	shalt  }
.Lfunc_end0:
.L_simem_size_0:
called_computation_lowered:
.L_overlay_start_0:
0x88: {  	s2 =	sld [smem:$0x3FD9]  }
0x89: {  	s3 =	sld [smem:$0x3FFE];
	_ =	sdelay $0x1  }
0x8a: {  	s1 =	srdreg.scid  }
0x8b: {  	s0 =	sand.u32 $0x1, s1  }
0x8c: {  	s17 =	sshll.u32 s0, $0xA;
	s2 =	sadd.s32 s3, s2  }
0x8d: {  	s2 =	sadd.s32 s2, s17  }
0x8e: {  	[smem:$0x3FC0] =	sst s2  }
0x8f: {  	_ = 	snop  }
0x90: {  	s2 =	sld [smem:$0x3FC5]  }
0x91: {  	s18 =	sld [smem:$0x3FC4]  }
0x92: {  	s4 =	sld [smem:$0x3FC3];
	(tm) =	ssettm $0x1  }
0x93: {  	s5 =	sld [smem:$0x3FFB];
	_ =	sdelay $0x3  }
0x94: {  	_ =	strace s5  }
0x95: {  	s5 =	sld [smem:$0x3FFC];
	_ =	sdelay $0x3  }
0x96: {  	_ =	strace s5  }
0x97: {  	s5 =	sld [smem:$0x3FFD];
	_ =	sdelay $0x3  }
0x98: {  	_ =	strace s5  }
0x99: {  	_ =	strace $0x8FFFFFFF  }
0x9a: {  	s19 =	sld [smem:$0x3FDB];
	_ =	sdelay $0x1  }
0x9b: {  	s6 =	simm.s32 $_scs_section_size  }
0x9c: {  	s7 =	simm.s32 $_size__tile_overlayer_lowered;
	s8 =	simm.s32 $_tile_overlayer_lowered  }
0x9d: {  	s22 =	simm.s32 $0x1BFF;
	s21 =	sshll.u32 s8, $0x1;
	s5 =	sadd.s32 s6, s19  }
0x9e: {  	s9 =	simm.s32 $0x0;
	s20 =	sshll.u32 s7, $0x1;
	s7 =	sadd.s32 s21, s5  }
0x9f: {  	[timem:s9], [sflag:s22] =	dma.local [hbm:s7], s20  }
0xa0: {  	_ =	swait.ge [sflag:s22], s20  }
0xa1: {  	s6 =	ssub.s32 $0x0, s20;
	[sflag:s22] =	ssyncset.done $0x0  }
0xa2: {  	[sflag:s22] =	ssyncadd.s32 s6;
	_ =	sdelay $0x1  }
0xa3: {  	s23 =	simm.s32 $0x1B8B  }
0xa4: {  	_ =	swait.ge [sflag:s23], $0x1  }
0xa5: {  	[sflag:s23] =	ssyncset.done $0x0  }
0xa6: {  	s25 =	simm.s32 $0x1B8E;
	s24 =	sld [smem:$0x3FFE];
	[sflag:s23] =	ssyncadd.s32 $0xFFFFFFFF  }
0xa7: {  	s26 =	simm.s32 $execute0_lowered;
	[smem:$0x3FD2] =	sst s25  }
0xa8: {  	s7 =	sshll.u32 s26, $0x1;
	_ =	strace $0x80000046;
	[dreg:$0x1] =	wrdreg $0xFFFFFFFF  }
0xa9: {  	s28 =	simm.s32 $_size_execute0_lowered;
	s5 =	sadd.s32 s5, s7;
	[dreg:$0x0] =	wrdreg $0x0  }
0xaa: {  	s7 =	sshll.u32 s28, $0x1;
	[dreg:$0x2] =	wrdreg s5  }
0xab: {  	[dreg:$0x3] =	wrdreg s7  }
0xac: {  	[dreg:$0x4] =	wrdreg $0xC0  }
0xad: {  	_ =	task [dreg:s9], $0x5FFFF  }
0xae: {  	[dreg:$0x1] =	wrdreg $0xFFFFFFFF  }
0xaf: {  	[dreg:$0x0] =	wrdreg $0x60  }
0xb0: {  	[dreg:$0x2] =	wrdreg s24  }
0xb1: {  	[dreg:$0x3] =	wrdreg s2  }
0xb2: {  	[dreg:$0x4] =	wrdreg s18  }
0xb3: {  	[dreg:$0x5] =	wrdreg s4  }
0xb4: {  	[dreg:$0x6] =	wrdreg $0x9  }
0xb5: {  	_ =	task.clear_ibuf [dreg:s9], $0x7FFFF;
	_ =	strace $0x90000046  }
0xb6: {  	s29 =	simm.s32 $0x9;
	_ =	strace $0x80000048  }
0xb7: {  	_ =	swait.ge [sflag:s29], $0x1  }
0xb8: {  	[sflag:s29] =	ssyncadd.s32 $0xFFFFFFFF  }
0xb9: {  	_ =	strace $0x90000048  }
0xba: {  	_ =	sfence  }
0xbb: {  	s30 =	sld [smem:$0x0];
	_ =	sdelay $0x2  }
0xbc: {  	s31 =	sshll.u32 s1, $0xD;
	s1 =	sshrl.u32 s1, $0x2  }
0xbd: {  	s3 =	sand.u32 $0x4000, s31;
	s1 =	sadd.s32 s1, s30  }
0xbe: {  	s0 =	sor.u32 s3, s0;
	s1 =	sshll.u32 s1, $0x11  }
0xbf: {  	s0 =	sor.u32 s1, s0  }
0xc0: {  	s0 =	sadd.s32 $0x8F2B, s0  }
0xc1: {  	[sflag:s0] =	ssyncadd.remote.s32 $0x1  }
0xc2: {  	_ =	sfence.sel $0xFFFF  }
0xc3: {  	[dreg:$0x0] =	wrdreg $0xFFFFFFFF;
	(pc) =	sbr.abs _section_cstart, $3  }
0xc4: {  	[dreg:$0x1] =	wrdreg $0xFFFFFFFF  }
0xc5: {  	_ =	task.clear_ibuf [dreg:s9], $0x2FFFF;
	_ =	strace $0x9FFFFFFF  }
0xc6: {  	(tm) =	ssettm $0x7FFFFFFF  }
0xc7: {  	_ =	shalt  }
tec
execute0_lowered:
.L_overlay_start_1:
0x0: {  	(tag) =	ssettag $0x1  }
0x1: {  	s20 =	rddreg [dreg:$0x0]  }
0x2: {  	s3 =	rddreg [dreg:$0x1];
	s1 =	srdreg.scid  }
0x3: {  	s5 =	rddreg [dreg:$0x2];
	s0 =	stileid.u32;
	s25 =	sand.u32 $0x1, s1  }
0x4: {  	s7 =	rddreg [dreg:$0x3];
	s4 =	sshll.u32 s0, $0x8;
	s6 =	sshll.u32 s25, $0x7  }
0x5: {  	s2 =	simm.s32 $0x0;
	s1 =	rddreg [dreg:$0x4];
	s21 =	sor.u32 s6, s4  }
0x6: {  	[smem:$0x7FF] =	sst s2;
	s8 =	sshrl.u32 s21, $0x3  }
0x7: {  	_ =	strace $0x80000047;
	s4 =	sadd.s32 s3, s8;
	s3 =	simm.s32 $0x2  }
0x8: {  	[tilespmem:s2], [sflag:$0x2] =	stream.linear.gather [hbm4b:s4+s2], $0x80, $0x38;
	[tilespmem:$0x3180] =	vst v63  }
0x9: {  	_ =	swait.ge [sflag:s3], $0x80  }
0xa: {  	[sflag:s3] =	ssyncset.done $0x0  }
0xb: {  	s6 =	simm.s32 $0x80;
	s5 =	sadd.s32 s5, s8;
	[sflag:s3] =	ssyncadd.s32 $0xFFFFFF80  }
0xc: {  	[tilespmem:s6], [sflag:$0x2] =	stream.linear.gather [hbm4b:s5+s2], $0x80, $0x38;
	[tilespmem:$0x3180] =	vst v63  }
0xd: {  	_ =	swait.ge [sflag:s3], $0x80  }
0xe: {  	[sflag:s3] =	ssyncset.done $0x0  }
0xf: {  	s7 =	sadd.s32 s7, s8;
	s8 =	simm.s32 $0x100;
	[sflag:s3] =	ssyncadd.s32 $0xFFFFFF80  }
0x10: {  	[tilespmem:s8], [sflag:$0x2] =	stream.linear.gather [hbm4b:s7+s2], $0x80, $0x38;
	[tilespmem:$0x3180] =	vst v63  }
0x11: {  	_ =	swait.ge [sflag:s3], $0x80  }
0x12: {  	[sflag:s3] =	ssyncset.done $0x0  }
0x13: {  	s10 =	simm.s32 $0x180;
	s9 =	sadd.s32 $0x1B9600, s20;
	[sflag:s3] =	ssyncadd.s32 $0xFFFFFF80  }
0x14: {  	[tilespmem:s10], [sflag:$0x1] =	stream.indirect.gather [hbm4b:s9+s6], $0x10, s2, s6, $0xb8;
	[tilespmem:$0x3180] =	vst v63  }
0x15: {  	s12 =	simm.s32 $0x980;
	s11 =	sadd.s32 $0x188800, s20  }
0x16: {  	[tilespmem:s12], [sflag:$0x1] =	stream.indirect.gather [hbm4b:s11+s6], $0x10, s2, s6, $0xb8;
	[tilespmem:$0x3180] =	vst v63  }
0x17: {  	s14 =	simm.s32 $0x1180;
	s13 =	sadd.s32 $0xF44200, s20  }
0x18: {  	[tilespmem:s14], [sflag:$0x1] =	stream.indirect.gather [hbm4b:s13+s6], $0x10, s6, s6, $0xb8;
	[tilespmem:$0x3180] =	vst v63  }
0x19: {  	s16 =	simm.s32 $0x1980;
	s15 =	sadd.s32 $0x112C800, s20  }
0x1a: {  	[tilespmem:s16], [sflag:$0x1] =	stream.indirect.gather [hbm4b:s15+s6], $0x10, s6, s6, $0xb8;
	[tilespmem:$0x3180] =	vst v63  }
0x1b: {  	s17 =	simm.s32 $0x2180  }
0x1c: {  	[tilespmem:s17], [sflag:$0x1] =	stream.indirect.gather [hbm4b:s13+s6], $0x10, s8, s6, $0xb8;
	[tilespmem:$0x3180] =	vst v63  }
0x1d: {  	s18 =	simm.s32 $0x2980;
	s19 =	simm.s32 $0x1  }
0x1e: {  	[tilespmem:s18], [sflag:$0x1] =	stream.indirect.gather [hbm4b:s15+s6], $0x10, s8, s6, $0xb8;
	[tilespmem:$0x3180] =	vst v63  }
0x1f: {  	s21 =	sshll.u32 s21, $0x1;
	_ =	swait.ge [sflag:s19], $0x800  }
0x20: {  	s26 =	sadd.s32 s21, s20;
	[sflag:s19] =	ssyncset.done $0x0  }
0x21: {  	s20 =	sadd.s32 $0x1E00, s26;
	[sflag:s19] =	ssyncadd.s32 $0xFFFFF800  }
0x22: {  	[hbm4b:s20+s2] =	stream.linear.scatter [tilespmem:s10], [sflag:$0x2], $0x800, $0x38;
	[tilespmem:$0x3180] =	vst v63  }
0x23: {  	_ =	swait.ge [sflag:s3], $0x800  }
0x24: {  	[sflag:s3] =	ssyncset.done $0x0  }
0x25: {  	[sflag:s3] =	ssyncadd.s32 $0xFFFFF800  }
0x26: {  	_ =	swait.ge [sflag:s19], $0x800  }
0x27: {  	[sflag:s19] =	ssyncset.done $0x0  }
0x28: {  	s21 =	sadd.s32 $0x3E00, s26;
	[sflag:s19] =	ssyncadd.s32 $0xFFFFF800  }
0x29: {  	[hbm4b:s21+s2] =	stream.linear.scatter [tilespmem:s12], [sflag:$0x2], $0x800, $0x38;
	[tilespmem:$0x3180] =	vst v63  }
0x2a: {  	_ =	swait.ge [sflag:s3], $0x800  }
0x2b: {  	[sflag:s3] =	ssyncset.done $0x0  }
0x2c: {  	[sflag:s3] =	ssyncadd.s32 $0xFFFFF800  }
0x2d: {  	_ =	swait.ge [sflag:s19], $0x800  }
0x2e: {  	[sflag:s19] =	ssyncset.done $0x0  }
0x2f: {  	s22 =	sadd.s32 $0x5E00, s26;
	[sflag:s19] =	ssyncadd.s32 $0xFFFFF800  }
0x30: {  	[hbm4b:s22+s2] =	stream.linear.scatter [tilespmem:s14], [sflag:$0x2], $0x800, $0x38;
	[tilespmem:$0x3180] =	vst v63  }
0x31: {  	_ =	swait.ge [sflag:s3], $0x800  }
0x32: {  	[sflag:s3] =	ssyncset.done $0x0  }
0x33: {  	[sflag:s3] =	ssyncadd.s32 $0xFFFFF800  }
0x34: {  	_ =	swait.ge [sflag:s19], $0x800  }
0x35: {  	[sflag:s19] =	ssyncset.done $0x0  }
0x36: {  	s23 =	sadd.s32 $0x7E00, s26;
	[sflag:s19] =	ssyncadd.s32 $0xFFFFF800  }
0x37: {  	[hbm4b:s23+s2] =	stream.linear.scatter [tilespmem:s16], [sflag:$0x2], $0x800, $0x38;
	[tilespmem:$0x3180] =	vst v63  }
0x38: {  	_ =	swait.ge [sflag:s3], $0x800  }
0x39: {  	[sflag:s3] =	ssyncset.done $0x0  }
0x3a: {  	[sflag:s3] =	ssyncadd.s32 $0xFFFFF800  }
0x3b: {  	_ =	swait.ge [sflag:s19], $0x800  }
0x3c: {  	[sflag:s19] =	ssyncset.done $0x0  }
0x3d: {  	s25 =	ssub.s32 $0x2, s25;
	s24 =	sadd.s32 $0x9E00, s26;
	[sflag:s19] =	ssyncadd.s32 $0xFFFFF800  }
0x3e: {  	[hbm4b:s24+s2] =	stream.linear.scatter [tilespmem:s17], [sflag:$0x2], $0x800, $0x38;
	[tilespmem:$0x3180] =	vst v63  }
0x3f: {  	s28 =	sshrl.u32 s25, $0x1;
	_ =	swait.ge [sflag:s3], $0x800  }
0x40: {  	s28 =	ssub.s32 s25, s28;
	[sflag:s3] =	ssyncset.done $0x0  }
0x41: {  	s31 =	smax.u32 s28, $0x1;
	[sflag:s3] =	ssyncadd.s32 $0xFFFFF800  }
0x42: {  	p0 =	sne.s32 s31, $0x1;
	_ =	swait.ge [sflag:s19], $0x800  }
.Ltmp0:
0x43: {  	[sflag:s19] =	ssyncset.done $0x0;
	(pc) =	sbr.rel @!p0 .LBB2_2-.Ltmp0, $4  }
0x44: {  	s25 =	sadd.s32 $0xBE00, s26;
	[sflag:s19] =	ssyncadd.s32 $0xFFFFF800  }
0x45: {  	[hbm4b:s25+s2] =	stream.linear.scatter [tilespmem:s18], [sflag:$0x2], $0x800, $0x38;
	[tilespmem:$0x3180] =	vst v63  }
0x46: {  	_ =	swait.ge [sflag:s3], $0x800  }
0x47: {  	s26 =	sadd.s32 $0xFFFFFFFF, s31;
	[sflag:s3] =	ssyncset.done $0x0  }
.LBB2_1:
0x48: {  	p0 =	sne.s32 s26, $0x1;
	s26 =	sadd.s32 $0xFFFFFFFF, s26;
	[sflag:s3] =	ssyncadd.s32 $0xFFFFF800  }
0x49: {  	[tilespmem:s2], [sflag:$0x2] =	stream.linear.gather [hbm4b:s4+s2], $0x80, $0x38;
	[tilespmem:$0x3180] =	vst v63  }
0x4a: {  	_ =	swait.ge [sflag:s3], $0x80  }
0x4b: {  	[sflag:s3] =	ssyncset.done $0x0  }
0x4c: {  	[sflag:s3] =	ssyncadd.s32 $0xFFFFFF80  }
0x4d: {  	[tilespmem:s6], [sflag:$0x2] =	stream.linear.gather [hbm4b:s5+s2], $0x80, $0x38;
	[tilespmem:$0x3180] =	vst v63  }
0x4e: {  	_ =	swait.ge [sflag:s3], $0x80  }
0x4f: {  	[sflag:s3] =	ssyncset.done $0x0  }
0x50: {  	[sflag:s3] =	ssyncadd.s32 $0xFFFFFF80  }
0x51: {  	[tilespmem:s8], [sflag:$0x2] =	stream.linear.gather [hbm4b:s7+s2], $0x80, $0x38;
	[tilespmem:$0x3180] =	vst v63  }
0x52: {  	_ =	swait.ge [sflag:s3], $0x80  }
0x53: {  	[sflag:s3] =	ssyncset.done $0x0  }
0x54: {  	[sflag:s3] =	ssyncadd.s32 $0xFFFFFF80  }
0x55: {  	[tilespmem:s10], [sflag:$0x1] =	stream.indirect.gather [hbm4b:s9+s6], $0x10, s2, s6, $0xb8;
	[tilespmem:$0x3180] =	vst v63  }
0x56: {  	_ = 	snop  }
0x57: {  	[tilespmem:s12], [sflag:$0x1] =	stream.indirect.gather [hbm4b:s11+s6], $0x10, s2, s6, $0xb8;
	[tilespmem:$0x3180] =	vst v63  }
0x58: {  	_ = 	snop  }
0x59: {  	[tilespmem:s14], [sflag:$0x1] =	stream.indirect.gather [hbm4b:s13+s6], $0x10, s6, s6, $0xb8;
	[tilespmem:$0x3180] =	vst v63  }
0x5a: {  	_ = 	snop  }
0x5b: {  	[tilespmem:s16], [sflag:$0x1] =	stream.indirect.gather [hbm4b:s15+s6], $0x10, s6, s6, $0xb8;
	[tilespmem:$0x3180] =	vst v63  }
0x5c: {  	_ = 	snop  }
0x5d: {  	[tilespmem:s17], [sflag:$0x1] =	stream.indirect.gather [hbm4b:s13+s6], $0x10, s8, s6, $0xb8;
	[tilespmem:$0x3180] =	vst v63  }
0x5e: {  	_ = 	snop  }
0x5f: {  	[tilespmem:s18], [sflag:$0x1] =	stream.indirect.gather [hbm4b:s15+s6], $0x10, s8, s6, $0xb8;
	[tilespmem:$0x3180] =	vst v63  }
0x60: {  	_ =	swait.ge [sflag:s19], $0x800  }
0x61: {  	[sflag:s19] =	ssyncset.done $0x0  }
0x62: {  	[sflag:s19] =	ssyncadd.s32 $0xFFFFF800  }
0x63: {  	[hbm4b:s20+s2] =	stream.linear.scatter [tilespmem:s10], [sflag:$0x2], $0x800, $0x38;
	[tilespmem:$0x3180] =	vst v63  }
0x64: {  	_ =	swait.ge [sflag:s3], $0x800  }
0x65: {  	[sflag:s3] =	ssyncset.done $0x0  }
0x66: {  	[sflag:s3] =	ssyncadd.s32 $0xFFFFF800  }
0x67: {  	_ =	swait.ge [sflag:s19], $0x800  }
0x68: {  	[sflag:s19] =	ssyncset.done $0x0  }
0x69: {  	[sflag:s19] =	ssyncadd.s32 $0xFFFFF800  }
0x6a: {  	[hbm4b:s21+s2] =	stream.linear.scatter [tilespmem:s12], [sflag:$0x2], $0x800, $0x38;
	[tilespmem:$0x3180] =	vst v63  }
0x6b: {  	_ =	swait.ge [sflag:s3], $0x800  }
0x6c: {  	[sflag:s3] =	ssyncset.done $0x0  }
0x6d: {  	[sflag:s3] =	ssyncadd.s32 $0xFFFFF800  }
0x6e: {  	_ =	swait.ge [sflag:s19], $0x800  }
0x6f: {  	[sflag:s19] =	ssyncset.done $0x0  }
0x70: {  	[sflag:s19] =	ssyncadd.s32 $0xFFFFF800  }
0x71: {  	[hbm4b:s22+s2] =	stream.linear.scatter [tilespmem:s14], [sflag:$0x2], $0x800, $0x38;
	[tilespmem:$0x3180] =	vst v63  }
0x72: {  	_ =	swait.ge [sflag:s3], $0x800  }
0x73: {  	[sflag:s3] =	ssyncset.done $0x0  }
0x74: {  	[sflag:s3] =	ssyncadd.s32 $0xFFFFF800  }
0x75: {  	_ =	swait.ge [sflag:s19], $0x800  }
0x76: {  	[sflag:s19] =	ssyncset.done $0x0  }
0x77: {  	[sflag:s19] =	ssyncadd.s32 $0xFFFFF800  }
0x78: {  	[hbm4b:s23+s2] =	stream.linear.scatter [tilespmem:s16], [sflag:$0x2], $0x800, $0x38;
	[tilespmem:$0x3180] =	vst v63  }
0x79: {  	_ =	swait.ge [sflag:s3], $0x800  }
0x7a: {  	[sflag:s3] =	ssyncset.done $0x0  }
0x7b: {  	[sflag:s3] =	ssyncadd.s32 $0xFFFFF800  }
0x7c: {  	_ =	swait.ge [sflag:s19], $0x800  }
0x7d: {  	[sflag:s19] =	ssyncset.done $0x0  }
0x7e: {  	[sflag:s19] =	ssyncadd.s32 $0xFFFFF800  }
0x7f: {  	[hbm4b:s24+s2] =	stream.linear.scatter [tilespmem:s17], [sflag:$0x2], $0x800, $0x38;
	[tilespmem:$0x3180] =	vst v63  }
0x80: {  	_ =	swait.ge [sflag:s3], $0x800  }
0x81: {  	[sflag:s3] =	ssyncset.done $0x0  }
0x82: {  	[sflag:s3] =	ssyncadd.s32 $0xFFFFF800  }
0x83: {  	_ =	swait.ge [sflag:s19], $0x800  }
.Ltmp1:
0x84: {  	[sflag:s19] =	ssyncset.done $0x0;
	(pc) =	sbr.rel @p0 .LBB2_1-.Ltmp1, $4  }
0x85: {  	[sflag:s19] =	ssyncadd.s32 $0xFFFFF800  }
0x86: {  	[hbm4b:s25+s2] =	stream.linear.scatter [tilespmem:s18], [sflag:$0x2], $0x800, $0x38;
	[tilespmem:$0x3180] =	vst v63  }
0x87: {  	_ =	swait.ge [sflag:s3], $0x800  }
0x88: {  	[sflag:s3] =	ssyncset.done $0x0  }
.LBB2_2:
0x89: {  	[sflag:s3] =	ssyncadd.s32 $0xFFFFF800  }
0x8a: {  	_ =	sfence.sel $0x180000  }
0x8b: {  	[bflag:$0x0] =	sbarrier.arrive $0xFFFF  }
0x8c: {  	p0 =	sne.s32 s0, $0x0;
	_ =	strace $0x90000047  }
0x8d: {  	s0 =	sadd.s32 @!p0 $0x100000, s1;
	[bflag:$0x2] =	sbarrier.arrive $0xFFFF  }
0x8e: {  	[sflag:s0] =	ssyncadd.tile.s32 @!p0 $0x1;
	_ =	shalt  }
.Lfunc_end2:
_tile_overlayer_lowered:
.L_overlay_start_2:
0x8f: {  	(tag) =	ssettag $0x2  }
0x90: {  	s0 =	rddreg [dreg:$0x0];
	s2 =	stileid.u32  }
0x91: {  	s1 =	rddreg [dreg:$0x1];
	p0 =	sne.s32 s2, $0x0  }
0x92: {  	s3 =	rddreg [dreg:$0x2];
	[bflag:$0x3] =	sbarrier.arrive $0xFFFF;
	s2 =	simm.s32 @!p0 $0x1C02  }
0x93: {  	[timem:s3], [sflag:s2] =	dma.local @!p0 [hbm:s0], s1  }
0x94: {  	s0 =	simm.s32 @!p0 $0x2  }
0x95: {  	_ =	swait.ge @!p0 [sflag:s0], s1  }
0x96: {  	s1 =	ssub.s32 @!p0 $0x0, s1;
	[sflag:s0] =	ssyncset.done @!p0 $0x0  }
0x97: {  	[sflag:s0] =	ssyncadd.s32 @!p0 s1  }
0x98: {  	[bflag:$0x3] =	sbarrier.arrive $0xFFFF  }
0x99: {  	_ =	shalt  }

</sc_bundles>
